<compile_context>
chip_gen: v7x
topology: tpu7x:2x2x1
jax: 0.10.2.dev20260603
libtpu: 0.0.44.dev20260713+nightly
codegen_flags: <defaults>
</compile_context>

<pallas_src>
import functools

import jax
from jax import lax
import jax.numpy as jnp
from jax.experimental import pallas as pl
from jax.experimental.pallas import tpu as pltpu
from jax.experimental.pallas import tpu_sc as plsc

NC, NS = 2, 16
NW = NC * NS
CHUNK = 32
NBUF = 4


def kernel(input_ids, table):
    batch, seq = input_ids.shape
    n = batch * seq
    _, d = table.shape
    b_per_w = n // NW
    nchunk = b_per_w // CHUNK
    idx = input_ids.astype(jnp.int32)
    w_per_row = seq // b_per_w

    mesh = plsc.VectorSubcoreMesh(core_axis_name="c", subcore_axis_name="s")

    @functools.partial(
        pl.kernel,
        out_type=jax.ShapeDtypeStruct((n, d), table.dtype),
        mesh=mesh,
        scratch_types=[
            pltpu.VMEM((b_per_w,), jnp.int32),
            pltpu.VMEM((2, 2 * CHUNK, d), jnp.float32),
        ] + [pltpu.SemaphoreType.DMA] * 6,
    )
    def gather_kernel(tab_hbm, idx_hbm, out_hbm, idx_v, rows_v, *sems):
        gsems = sems[:4]
        osems = sems[4:]
        wid = lax.axis_index("s") * NC + lax.axis_index("c")
        base = wid * b_per_w
        row = wid // w_per_row
        col = (wid % w_per_row) * b_per_w
        head = NBUF * CHUNK
        pltpu.sync_copy(idx_hbm.at[row, pl.ds(col, head)],
                        idx_v.at[pl.ds(0, head)])

        def gather_cp(g, q, h):
            return pltpu.make_async_copy(
                tab_hbm.at[idx_v.at[pl.ds(g * CHUNK, CHUNK)]],
                rows_v.at[q, pl.ds(h * CHUNK, CHUNK)], gsems[2 * q + h])

        def out_cp(g2, q):
            return pltpu.make_async_copy(
                rows_v.at[q], out_hbm.at[pl.ds(base + g2 * CHUNK, 2 * CHUNK)],
                osems[q])

        for q in range(2):
            for h in range(2):
                gather_cp(2 * q + h, q, h).start()

        pltpu.sync_copy(idx_hbm.at[row, pl.ds(col + head, b_per_w - head)],
                        idx_v.at[pl.ds(head, b_per_w - head)])

        @pl.loop(0, nchunk, step=4)
        def _(c):
            for q in range(2):
                g0 = c + 2 * q
                gather_cp(g0, q, 0).wait()
                gather_cp(g0 + 1, q, 1).wait()
                out_cp(g0, q).start()

                @pl.when(g0 + 4 < nchunk)
                def _():
                    out_cp(g0, q).wait()
                    gather_cp(g0 + 4, q, 0).start()
                    gather_cp(g0 + 5, q, 1).start()

        for q in range(2):
            out_cp(nchunk - 4 + 2 * q, q).wait()

    out = gather_kernel(table, idx)
    return out.reshape(batch, seq, d)

# --- scband reference (transcript-rebuilt; emitter-appended) ---
"""Pipeline reference for scband-mamba-embedding-29300266893415 (READ-ONLY COPY).

The authoritative reference and input builder live on the scoring server;
editing this copy changes nothing except your own understanding.
"""

import jax, jax.numpy as jnp
import numpy as np

VOCAB = 100000
D_MODEL = 768
BATCH = 4
SEQ = 8192

def setup_inputs(seed: int = 0) -> dict:
    key = jax.random.key(seed)
    k_idx, k_tab = jax.random.split(key)
    input_ids = jax.random.randint(k_idx, (BATCH, SEQ), 0, VOCAB, dtype=jnp.int64 if jax.config.jax_enable_x64 else jnp.int32)
    table = jax.random.normal(k_tab, (VOCAB, D_MODEL), dtype=jnp.float32) * 0.02
    return {"input_ids": input_ids, "table": table}

def reference(input_ids, table):
    # nn.Embedding lookup: embeddings[b, s, :] = table[input_ids[b, s], :]
    embeddings = jnp.take(table, input_ids, axis=0)
    return embeddings

if __name__ == "__main__":
    import jax
    _d = setup_inputs()
    print(jax.jit(kernel)(*tuple(_d.values())))

</pallas_src>

<mosaic_0001>
#map = affine_map<(d0, d1) -> (0, 0)>
module attributes {stable_mosaic.version = 14 : i64} {
  func.func @gather_kernel(%arg0: i32, %arg1: i32, %arg2: memref<100000x768xf32, #tpu.memory_space<hbm>>, %arg3: memref<4x8192xi32, #tpu.memory_space<hbm>>, %arg4: memref<32768x768xf32, #tpu.memory_space<hbm>>, %arg5: memref<1024xi32, #tpu.memory_space<vmem>>, %arg6: memref<2x64x768xf32, #tpu.memory_space<vmem>>, %arg7: memref<!tpu.dma_semaphore, #tpu.memory_space<semaphore_mem>>, %arg8: memref<!tpu.dma_semaphore, #tpu.memory_space<semaphore_mem>>, %arg9: memref<!tpu.dma_semaphore, #tpu.memory_space<semaphore_mem>>, %arg10: memref<!tpu.dma_semaphore, #tpu.memory_space<semaphore_mem>>, %arg11: memref<!tpu.dma_semaphore, #tpu.memory_space<semaphore_mem>>, %arg12: memref<!tpu.dma_semaphore, #tpu.memory_space<semaphore_mem>>) attributes {dimension_semantics = [#tpu.dimension_semantics<core_parallel>, #tpu.dimension_semantics<subcore_parallel>], iteration_bounds = array<i64: 2, 16>, scalar_prefetch = 0 : i64, scratch_operands = 8 : i64, tpu.core_type = #tpu.core_type<sc_vector_subcore>, window_params = [{transform_indices = #map}, {transform_indices = #map}, {transform_indices = #map}]} {
    %mul3A = arith.constant 2 : i32
    %mul3A_0 = arith.muli %arg1, %mul3A : i32
    %add3A = arith.addi %mul3A_0, %arg0 : i32
    %mul3A_1 = arith.constant 1024 : i32
    %mul3A_2 = arith.muli %add3A, %mul3A_1 : i32
    %jit3A = arith.constant 8 : i32
    %div3A = arith.divsi %add3A, %jit3A : i32
    %sign3A = arith.constant 0 : i32
    %sign3A_3 = arith.cmpi sgt, %add3A, %sign3A : i32
    %sign3A_4 = arith.extui %sign3A_3 : i1 to i32
    %sign3A_5 = arith.constant 0 : i32
    %sign3A_6 = arith.cmpi slt, %add3A, %sign3A_5 : i32
    %sign3A_7 = arith.extui %sign3A_6 : i1 to i32
    %sign3A_8 = arith.subi %sign3A_4, %sign3A_7 : i32
    %sign3A_9 = arith.constant 0 : i32
    %sign3A_10 = arith.cmpi sgt, %jit3A, %sign3A_9 : i32
    %sign3A_11 = arith.extui %sign3A_10 : i1 to i32
    %sign3A_12 = arith.constant 0 : i32
    %sign3A_13 = arith.cmpi slt, %jit3A, %sign3A_12 : i32
    %sign3A_14 = arith.extui %sign3A_13 : i1 to i32
    %sign3A_15 = arith.subi %sign3A_11, %sign3A_14 : i32
    %ne3A = arith.cmpi ne, %sign3A_8, %sign3A_15 : i32
    %rem3A = arith.remsi %add3A, %jit3A : i32
    %ne3A_16 = arith.constant 0 : i32
    %ne3A_17 = arith.cmpi ne, %rem3A, %ne3A_16 : i32
    %and3A = arith.andi %ne3A, %ne3A_17 : i1
    %sub3A = arith.constant 1 : i32
    %sub3A_18 = arith.subi %div3A, %sub3A : i32
    %select_n3A = arith.select %and3A, %sub3A_18, %div3A : i32
    %jit3A_19 = arith.constant 8 : i32
    %eq3A = arith.constant 0 : i32
    %eq3A_20 = arith.cmpi eq, %jit3A_19, %eq3A : i32
    %jit3A_21 = arith.constant 1 : i32
    %select_n3A_22 = arith.select %eq3A_20, %jit3A_21, %jit3A_19 : i32
    %rem3A_23 = arith.remsi %add3A, %select_n3A_22 : i32
    %ne3A_24 = arith.constant 0 : i32
    %ne3A_25 = arith.cmpi ne, %rem3A_23, %ne3A_24 : i32
    %lt3A = arith.constant 0 : i32
    %lt3A_26 = arith.cmpi slt, %rem3A_23, %lt3A : i32
    %lt3A_27 = arith.constant 0 : i32
    %lt3A_28 = arith.cmpi slt, %select_n3A_22, %lt3A_27 : i32
    %ne3A_29 = arith.xori %lt3A_26, %lt3A_28 : i1
    %and3A_30 = arith.andi %ne3A_29, %ne3A_25 : i1
    %add3A_31 = arith.addi %rem3A_23, %select_n3A_22 : i32
    %select_n3A_32 = arith.select %and3A_30, %add3A_31, %rem3A_23 : i32
    %mul3A_33 = arith.constant 1024 : i32
    %mul3A_34 = arith.muli %select_n3A_32, %mul3A_33 : i32
    "tpu.region"() ({
      %run_scoped3A = tpu.sem_alloc : memref<!tpu.dma_semaphore, #tpu.memory_space<semaphore_mem>>
      %dma_start3A_109 = arith.constant 0 : i32
      %dma_start3A_110 = tpu.memref_slice %arg5[%dma_start3A_109] : memref<1024xi32, #tpu.memory_space<vmem>> -> memref<128xi32, #tpu.memory_space<vmem>>
      %dma_start3A_111 = tpu.memref_slice %arg3[%select_n3A, %mul3A_34] : memref<4x8192xi32, #tpu.memory_space<hbm>> -> memref<1x128xi32, #tpu.memory_space<hbm>>
      %dma_start3A_112 = tpu.memref_squeeze %dma_start3A_111 : memref<1x128xi32, #tpu.memory_space<hbm>> -> memref<128xi32, #tpu.memory_space<hbm>>
      %dma_start3A_113 = arith.constant 0 : i32
      %dma_start3A_114 = tpu.memref_slice %arg5[%dma_start3A_113] : memref<1024xi32, #tpu.memory_space<vmem>> -> memref<128xi32, #tpu.memory_space<vmem>>
      %dma_start3A_115 = tpu.memref_slice %arg3[%select_n3A, %mul3A_34] : memref<4x8192xi32, #tpu.memory_space<hbm>> -> memref<1x128xi32, #tpu.memory_space<hbm>>
      %dma_start3A_116 = tpu.memref_squeeze %dma_start3A_115 : memref<1x128xi32, #tpu.memory_space<hbm>> -> memref<128xi32, #tpu.memory_space<hbm>>
      tpu.enqueue_dma source(%dma_start3A_116 : memref<128xi32, #tpu.memory_space<hbm>>) target(%dma_start3A_114 : memref<128xi32, #tpu.memory_space<vmem>>) target_semaphore(%run_scoped3A : memref<!tpu.dma_semaphore, #tpu.memory_space<semaphore_mem>>)
      %dma_wait3A_117 = arith.constant 0 : i32
      %dma_wait3A_118 = tpu.memref_slice %arg5[%dma_wait3A_117] : memref<1024xi32, #tpu.memory_space<vmem>> -> memref<128xi32, #tpu.memory_space<vmem>>
      %dma_wait3A_119 = tpu.memref_slice %arg3[%select_n3A, %mul3A_34] : memref<4x8192xi32, #tpu.memory_space<hbm>> -> memref<1x128xi32, #tpu.memory_space<hbm>>
      %dma_wait3A_120 = tpu.memref_squeeze %dma_wait3A_119 : memref<1x128xi32, #tpu.memory_space<hbm>> -> memref<128xi32, #tpu.memory_space<hbm>>
      %dma_wait3A_121 = arith.constant 0 : i32
      %dma_wait3A_122 = tpu.memref_slice %arg5[%dma_wait3A_121] : memref<1024xi32, #tpu.memory_space<vmem>> -> memref<128xi32, #tpu.memory_space<vmem>>
      %dma_wait3A_123 = tpu.memref_slice %arg3[%select_n3A, %mul3A_34] : memref<4x8192xi32, #tpu.memory_space<hbm>> -> memref<1x128xi32, #tpu.memory_space<hbm>>
      %dma_wait3A_124 = tpu.memref_squeeze %dma_wait3A_123 : memref<1x128xi32, #tpu.memory_space<hbm>> -> memref<128xi32, #tpu.memory_space<hbm>>
      tpu.wait_dma2 semaphore(%run_scoped3A : memref<!tpu.dma_semaphore, #tpu.memory_space<semaphore_mem>>) src(%dma_wait3A_124 : memref<128xi32, #tpu.memory_space<hbm>>) dst(%dma_wait3A_122 : memref<128xi32, #tpu.memory_space<vmem>>)
      tpu.yield
    }) : () -> ()
    %dma_start3A = arith.constant 0 : i32
    %dma_start3A_35 = arith.constant 0 : i32
    %dma_start3A_36 = arith.constant 0 : i32
    %dma_start3A_37 = tpu.memref_slice %arg6[%dma_start3A, %dma_start3A_35, %dma_start3A_36] : memref<2x64x768xf32, #tpu.memory_space<vmem>> -> memref<1x32x768xf32, #tpu.memory_space<vmem>>
    %dma_start3A_38 = tpu.memref_squeeze %dma_start3A_37 : memref<1x32x768xf32, #tpu.memory_space<vmem>> -> memref<32x768xf32, #tpu.memory_space<vmem>>
    %dma_start3A_39 = arith.constant 0 : i32
    %dma_start3A_40 = tpu.memref_slice %arg5[%dma_start3A_39] : memref<1024xi32, #tpu.memory_space<vmem>> -> memref<32xi32, #tpu.memory_space<vmem>>
    %dma_start3A_41 = arith.constant 0 : i32
    %dma_start3A_42 = arith.constant 0 : i32
    %dma_start3A_43 = tpu.memref_slice %arg2[%dma_start3A_41, %dma_start3A_42] : memref<100000x768xf32, #tpu.memory_space<hbm>> -> memref<100000x768xf32, #tpu.memory_space<hbm>>
    tpu.enqueue_indirect_dma source(%dma_start3A_43 : memref<100000x768xf32, #tpu.memory_space<hbm>>) target(%dma_start3A_38 : memref<32x768xf32, #tpu.memory_space<vmem>>) offsets(%dma_start3A_40 : memref<32xi32, #tpu.memory_space<vmem>>) semaphore(%arg7 : memref<!tpu.dma_semaphore, #tpu.memory_space<semaphore_mem>>)
    %dma_start3A_44 = arith.constant 0 : i32
    %dma_start3A_45 = arith.constant 32 : i32
    %dma_start3A_46 = arith.constant 0 : i32
    %dma_start3A_47 = tpu.memref_slice %arg6[%dma_start3A_44, %dma_start3A_45, %dma_start3A_46] : memref<2x64x768xf32, #tpu.memory_space<vmem>> -> memref<1x32x768xf32, #tpu.memory_space<vmem>>
    %dma_start3A_48 = tpu.memref_squeeze %dma_start3A_47 : memref<1x32x768xf32, #tpu.memory_space<vmem>> -> memref<32x768xf32, #tpu.memory_space<vmem>>
    %dma_start3A_49 = arith.constant 32 : i32
    %dma_start3A_50 = tpu.memref_slice %arg5[%dma_start3A_49] : memref<1024xi32, #tpu.memory_space<vmem>> -> memref<32xi32, #tpu.memory_space<vmem>>
    %dma_start3A_51 = arith.constant 0 : i32
    %dma_start3A_52 = arith.constant 0 : i32
    %dma_start3A_53 = tpu.memref_slice %arg2[%dma_start3A_51, %dma_start3A_52] : memref<100000x768xf32, #tpu.memory_space<hbm>> -> memref<100000x768xf32, #tpu.memory_space<hbm>>
    tpu.enqueue_indirect_dma source(%dma_start3A_53 : memref<100000x768xf32, #tpu.memory_space<hbm>>) target(%dma_start3A_48 : memref<32x768xf32, #tpu.memory_space<vmem>>) offsets(%dma_start3A_50 : memref<32xi32, #tpu.memory_space<vmem>>) semaphore(%arg8 : memref<!tpu.dma_semaphore, #tpu.memory_space<semaphore_mem>>)
    %dma_start3A_54 = arith.constant 1 : i32
    %dma_start3A_55 = arith.constant 0 : i32
    %dma_start3A_56 = arith.constant 0 : i32
    %dma_start3A_57 = tpu.memref_slice %arg6[%dma_start3A_54, %dma_start3A_55, %dma_start3A_56] : memref<2x64x768xf32, #tpu.memory_space<vmem>> -> memref<1x32x768xf32, #tpu.memory_space<vmem>>
    %dma_start3A_58 = tpu.memref_squeeze %dma_start3A_57 : memref<1x32x768xf32, #tpu.memory_space<vmem>> -> memref<32x768xf32, #tpu.memory_space<vmem>>
    %dma_start3A_59 = arith.constant 64 : i32
    %dma_start3A_60 = tpu.memref_slice %arg5[%dma_start3A_59] : memref<1024xi32, #tpu.memory_space<vmem>> -> memref<32xi32, #tpu.memory_space<vmem>>
    %dma_start3A_61 = arith.constant 0 : i32
    %dma_start3A_62 = arith.constant 0 : i32
    %dma_start3A_63 = tpu.memref_slice %arg2[%dma_start3A_61, %dma_start3A_62] : memref<100000x768xf32, #tpu.memory_space<hbm>> -> memref<100000x768xf32, #tpu.memory_space<hbm>>
    tpu.enqueue_indirect_dma source(%dma_start3A_63 : memref<100000x768xf32, #tpu.memory_space<hbm>>) target(%dma_start3A_58 : memref<32x768xf32, #tpu.memory_space<vmem>>) offsets(%dma_start3A_60 : memref<32xi32, #tpu.memory_space<vmem>>) semaphore(%arg9 : memref<!tpu.dma_semaphore, #tpu.memory_space<semaphore_mem>>)
    %dma_start3A_64 = arith.constant 1 : i32
    %dma_start3A_65 = arith.constant 32 : i32
    %dma_start3A_66 = arith.constant 0 : i32
    %dma_start3A_67 = tpu.memref_slice %arg6[%dma_start3A_64, %dma_start3A_65, %dma_start3A_66] : memref<2x64x768xf32, #tpu.memory_space<vmem>> -> memref<1x32x768xf32, #tpu.memory_space<vmem>>
    %dma_start3A_68 = tpu.memref_squeeze %dma_start3A_67 : memref<1x32x768xf32, #tpu.memory_space<vmem>> -> memref<32x768xf32, #tpu.memory_space<vmem>>
    %dma_start3A_69 = arith.constant 96 : i32
    %dma_start3A_70 = tpu.memref_slice %arg5[%dma_start3A_69] : memref<1024xi32, #tpu.memory_space<vmem>> -> memref<32xi32, #tpu.memory_space<vmem>>
    %dma_start3A_71 = arith.constant 0 : i32
    %dma_start3A_72 = arith.constant 0 : i32
    %dma_start3A_73 = tpu.memref_slice %arg2[%dma_start3A_71, %dma_start3A_72] : memref<100000x768xf32, #tpu.memory_space<hbm>> -> memref<100000x768xf32, #tpu.memory_space<hbm>>
    tpu.enqueue_indirect_dma source(%dma_start3A_73 : memref<100000x768xf32, #tpu.memory_space<hbm>>) target(%dma_start3A_68 : memref<32x768xf32, #tpu.memory_space<vmem>>) offsets(%dma_start3A_70 : memref<32xi32, #tpu.memory_space<vmem>>) semaphore(%arg10 : memref<!tpu.dma_semaphore, #tpu.memory_space<semaphore_mem>>)
    %add3A_74 = arith.constant 128 : i32
    %add3A_75 = arith.addi %mul3A_34, %add3A_74 : i32
    "tpu.region"() ({
      %run_scoped3A = tpu.sem_alloc : memref<!tpu.dma_semaphore, #tpu.memory_space<semaphore_mem>>
      %dma_start3A_109 = arith.constant 128 : i32
      %dma_start3A_110 = tpu.memref_slice %arg5[%dma_start3A_109] : memref<1024xi32, #tpu.memory_space<vmem>> -> memref<896xi32, #tpu.memory_space<vmem>>
      %dma_start3A_111 = tpu.memref_slice %arg3[%select_n3A, %add3A_75] : memref<4x8192xi32, #tpu.memory_space<hbm>> -> memref<1x896xi32, #tpu.memory_space<hbm>>
      %dma_start3A_112 = tpu.memref_squeeze %dma_start3A_111 : memref<1x896xi32, #tpu.memory_space<hbm>> -> memref<896xi32, #tpu.memory_space<hbm>>
      %dma_start3A_113 = arith.constant 128 : i32
      %dma_start3A_114 = tpu.memref_slice %arg5[%dma_start3A_113] : memref<1024xi32, #tpu.memory_space<vmem>> -> memref<896xi32, #tpu.memory_space<vmem>>
      %dma_start3A_115 = tpu.memref_slice %arg3[%select_n3A, %add3A_75] : memref<4x8192xi32, #tpu.memory_space<hbm>> -> memref<1x896xi32, #tpu.memory_space<hbm>>
      %dma_start3A_116 = tpu.memref_squeeze %dma_start3A_115 : memref<1x896xi32, #tpu.memory_space<hbm>> -> memref<896xi32, #tpu.memory_space<hbm>>
      tpu.enqueue_dma source(%dma_start3A_116 : memref<896xi32, #tpu.memory_space<hbm>>) target(%dma_start3A_114 : memref<896xi32, #tpu.memory_space<vmem>>) target_semaphore(%run_scoped3A : memref<!tpu.dma_semaphore, #tpu.memory_space<semaphore_mem>>)
      %dma_wait3A_117 = arith.constant 128 : i32
      %dma_wait3A_118 = tpu.memref_slice %arg5[%dma_wait3A_117] : memref<1024xi32, #tpu.memory_space<vmem>> -> memref<896xi32, #tpu.memory_space<vmem>>
      %dma_wait3A_119 = tpu.memref_slice %arg3[%select_n3A, %add3A_75] : memref<4x8192xi32, #tpu.memory_space<hbm>> -> memref<1x896xi32, #tpu.memory_space<hbm>>
      %dma_wait3A_120 = tpu.memref_squeeze %dma_wait3A_119 : memref<1x896xi32, #tpu.memory_space<hbm>> -> memref<896xi32, #tpu.memory_space<hbm>>
      %dma_wait3A_121 = arith.constant 128 : i32
      %dma_wait3A_122 = tpu.memref_slice %arg5[%dma_wait3A_121] : memref<1024xi32, #tpu.memory_space<vmem>> -> memref<896xi32, #tpu.memory_space<vmem>>
      %dma_wait3A_123 = tpu.memref_slice %arg3[%select_n3A, %add3A_75] : memref<4x8192xi32, #tpu.memory_space<hbm>> -> memref<1x896xi32, #tpu.memory_space<hbm>>
      %dma_wait3A_124 = tpu.memref_squeeze %dma_wait3A_123 : memref<1x896xi32, #tpu.memory_space<hbm>> -> memref<896xi32, #tpu.memory_space<hbm>>
      tpu.wait_dma2 semaphore(%run_scoped3A : memref<!tpu.dma_semaphore, #tpu.memory_space<semaphore_mem>>) src(%dma_wait3A_124 : memref<896xi32, #tpu.memory_space<hbm>>) dst(%dma_wait3A_122 : memref<896xi32, #tpu.memory_space<vmem>>)
      tpu.yield
    }) : () -> ()
    %scan3A = arith.constant 0 : i32
    %scan3A_76 = arith.constant 8 : i32
    %scan3A_77 = arith.addi %scan3A, %scan3A_76 : i32
    %scan3A_78 = arith.constant 1 : i32
    scf.for %scan3A_109 = %scan3A to %scan3A_77 step %scan3A_78  : i32 {
      %mul3A_110 = arith.constant 4 : i32
      %mul3A_111 = arith.muli %scan3A_109, %mul3A_110 : i32
      %add3A_112 = arith.constant 0 : i32
      %add3A_113 = arith.addi %add3A_112, %mul3A_111 : i32
      %add3A_114 = arith.constant 0 : i32
      %add3A_115 = arith.addi %add3A_113, %add3A_114 : i32
      %mul3A_116 = arith.constant 32 : i32
      %mul3A_117 = arith.muli %add3A_115, %mul3A_116 : i32
      %dma_wait3A_118 = arith.constant 0 : i32
      %dma_wait3A_119 = arith.constant 0 : i32
      %dma_wait3A_120 = arith.constant 0 : i32
      %dma_wait3A_121 = tpu.memref_slice %arg6[%dma_wait3A_118, %dma_wait3A_119, %dma_wait3A_120] : memref<2x64x768xf32, #tpu.memory_space<vmem>> -> memref<1x32x768xf32, #tpu.memory_space<vmem>>
      %dma_wait3A_122 = tpu.memref_squeeze %dma_wait3A_121 : memref<1x32x768xf32, #tpu.memory_space<vmem>> -> memref<32x768xf32, #tpu.memory_space<vmem>>
      %dma_wait3A_123 = tpu.memref_slice %arg5[%mul3A_117] : memref<1024xi32, #tpu.memory_space<vmem>> -> memref<32xi32, #tpu.memory_space<vmem>>
      %dma_wait3A_124 = arith.constant 0 : i32
      %dma_wait3A_125 = arith.constant 0 : i32
      %dma_wait3A_126 = tpu.memref_slice %arg2[%dma_wait3A_124, %dma_wait3A_125] : memref<100000x768xf32, #tpu.memory_space<hbm>> -> memref<100000x768xf32, #tpu.memory_space<hbm>>
      tpu.wait_indirect_dma semaphore(%arg7 : memref<!tpu.dma_semaphore, #tpu.memory_space<semaphore_mem>>) src(%dma_wait3A_126 : memref<100000x768xf32, #tpu.memory_space<hbm>>) dst(%dma_wait3A_122 : memref<32x768xf32, #tpu.memory_space<vmem>>)
      %add3A_127 = arith.constant 1 : i32
      %add3A_128 = arith.addi %add3A_115, %add3A_127 : i32
      %mul3A_129 = arith.constant 32 : i32
      %mul3A_130 = arith.muli %add3A_128, %mul3A_129 : i32
      %dma_wait3A_131 = arith.constant 0 : i32
      %dma_wait3A_132 = arith.constant 32 : i32
      %dma_wait3A_133 = arith.constant 0 : i32
      %dma_wait3A_134 = tpu.memref_slice %arg6[%dma_wait3A_131, %dma_wait3A_132, %dma_wait3A_133] : memref<2x64x768xf32, #tpu.memory_space<vmem>> -> memref<1x32x768xf32, #tpu.memory_space<vmem>>
      %dma_wait3A_135 = tpu.memref_squeeze %dma_wait3A_134 : memref<1x32x768xf32, #tpu.memory_space<vmem>> -> memref<32x768xf32, #tpu.memory_space<vmem>>
      %dma_wait3A_136 = tpu.memref_slice %arg5[%mul3A_130] : memref<1024xi32, #tpu.memory_space<vmem>> -> memref<32xi32, #tpu.memory_space<vmem>>
      %dma_wait3A_137 = arith.constant 0 : i32
      %dma_wait3A_138 = arith.constant 0 : i32
      %dma_wait3A_139 = tpu.memref_slice %arg2[%dma_wait3A_137, %dma_wait3A_138] : memref<100000x768xf32, #tpu.memory_space<hbm>> -> memref<100000x768xf32, #tpu.memory_space<hbm>>
      tpu.wait_indirect_dma semaphore(%arg8 : memref<!tpu.dma_semaphore, #tpu.memory_space<semaphore_mem>>) src(%dma_wait3A_139 : memref<100000x768xf32, #tpu.memory_space<hbm>>) dst(%dma_wait3A_135 : memref<32x768xf32, #tpu.memory_space<vmem>>)
      %mul3A_140 = arith.constant 32 : i32
      %mul3A_141 = arith.muli %add3A_115, %mul3A_140 : i32
      %add3A_142 = arith.addi %mul3A_2, %mul3A_141 : i32
      %dma_start3A_143 = arith.constant 0 : i32
      %dma_start3A_144 = arith.constant 0 : i32
      %dma_start3A_145 = arith.constant 0 : i32
      %dma_start3A_146 = tpu.memref_slice %arg6[%dma_start3A_143, %dma_start3A_144, %dma_start3A_145] : memref<2x64x768xf32, #tpu.memory_space<vmem>> -> memref<1x64x768xf32, #tpu.memory_space<vmem>>
      %dma_start3A_147 = tpu.memref_squeeze %dma_start3A_146 : memref<1x64x768xf32, #tpu.memory_space<vmem>> -> memref<64x768xf32, #tpu.memory_space<vmem>>
      %dma_start3A_148 = arith.constant 0 : i32
      %dma_start3A_149 = tpu.memref_slice %arg4[%add3A_142, %dma_start3A_148] : memref<32768x768xf32, #tpu.memory_space<hbm>> -> memref<64x768xf32, #tpu.memory_space<hbm>>
      %dma_start3A_150 = arith.constant 0 : i32
      %dma_start3A_151 = tpu.memref_slice %arg4[%add3A_142, %dma_start3A_150] : memref<32768x768xf32, #tpu.memory_space<hbm>> -> memref<64x768xf32, #tpu.memory_space<hbm>>
      %dma_start3A_152 = arith.constant 0 : i32
      %dma_start3A_153 = arith.constant 0 : i32
      %dma_start3A_154 = tpu.memref_slice %arg6[%dma_start3A_143, %dma_start3A_152, %dma_start3A_153] : memref<2x64x768xf32, #tpu.memory_space<vmem>> -> memref<1x64x768xf32, #tpu.memory_space<vmem>>
      %dma_start3A_155 = tpu.memref_squeeze %dma_start3A_154 : memref<1x64x768xf32, #tpu.memory_space<vmem>> -> memref<64x768xf32, #tpu.memory_space<vmem>>
      tpu.enqueue_dma source(%dma_start3A_155 : memref<64x768xf32, #tpu.memory_space<vmem>>) target(%dma_start3A_151 : memref<64x768xf32, #tpu.memory_space<hbm>>) target_semaphore(%arg11 : memref<!tpu.dma_semaphore, #tpu.memory_space<semaphore_mem>>)
      %add3A_156 = arith.constant 4 : i32
      %add3A_157 = arith.addi %add3A_115, %add3A_156 : i32
      %lt3A_158 = arith.constant 32 : i32
      %lt3A_159 = arith.cmpi slt, %add3A_157, %lt3A_158 : i32
      %convert_element_type3A = arith.extui %lt3A_159 : i1 to i32
      %cond3A = arith.constant 0 : i32
      %cond3A_160 = arith.cmpi ne, %convert_element_type3A, %cond3A : i32
      scf.if %cond3A_160 {
        %mul3A_210 = arith.constant 32 : i32
        %mul3A_211 = arith.muli %add3A_115, %mul3A_210 : i32
        %add3A_212 = arith.addi %mul3A_2, %mul3A_211 : i32
        %dma_wait3A_213 = arith.constant 0 : i32
        %dma_wait3A_214 = arith.constant 0 : i32
        %dma_wait3A_215 = arith.constant 0 : i32
        %dma_wait3A_216 = tpu.memref_slice %arg6[%dma_wait3A_213, %dma_wait3A_214, %dma_wait3A_215] : memref<2x64x768xf32, #tpu.memory_space<vmem>> -> memref<1x64x768xf32, #tpu.memory_space<vmem>>
        %dma_wait3A_217 = tpu.memref_squeeze %dma_wait3A_216 : memref<1x64x768xf32, #tpu.memory_space<vmem>> -> memref<64x768xf32, #tpu.memory_space<vmem>>
        %dma_wait3A_218 = arith.constant 0 : i32
        %dma_wait3A_219 = tpu.memref_slice %arg4[%add3A_212, %dma_wait3A_218] : memref<32768x768xf32, #tpu.memory_space<hbm>> -> memref<64x768xf32, #tpu.memory_space<hbm>>
        %dma_wait3A_220 = arith.constant 0 : i32
        %dma_wait3A_221 = tpu.memref_slice %arg4[%add3A_212, %dma_wait3A_220] : memref<32768x768xf32, #tpu.memory_space<hbm>> -> memref<64x768xf32, #tpu.memory_space<hbm>>
        %dma_wait3A_222 = arith.constant 0 : i32
        %dma_wait3A_223 = arith.constant 0 : i32
        %dma_wait3A_224 = tpu.memref_slice %arg6[%dma_wait3A_213, %dma_wait3A_222, %dma_wait3A_223] : memref<2x64x768xf32, #tpu.memory_space<vmem>> -> memref<1x64x768xf32, #tpu.memory_space<vmem>>
        %dma_wait3A_225 = tpu.memref_squeeze %dma_wait3A_224 : memref<1x64x768xf32, #tpu.memory_space<vmem>> -> memref<64x768xf32, #tpu.memory_space<vmem>>
        tpu.wait_dma2 semaphore(%arg11 : memref<!tpu.dma_semaphore, #tpu.memory_space<semaphore_mem>>) src(%dma_wait3A_225 : memref<64x768xf32, #tpu.memory_space<vmem>>) dst(%dma_wait3A_221 : memref<64x768xf32, #tpu.memory_space<hbm>>)
        %add3A_226 = arith.constant 4 : i32
        %add3A_227 = arith.addi %add3A_115, %add3A_226 : i32
        %mul3A_228 = arith.constant 32 : i32
        %mul3A_229 = arith.muli %add3A_227, %mul3A_228 : i32
        %dma_start3A_230 = arith.constant 0 : i32
        %dma_start3A_231 = arith.constant 0 : i32
        %dma_start3A_232 = arith.constant 0 : i32
        %dma_start3A_233 = tpu.memref_slice %arg6[%dma_start3A_230, %dma_start3A_231, %dma_start3A_232] : memref<2x64x768xf32, #tpu.memory_space<vmem>> -> memref<1x32x768xf32, #tpu.memory_space<vmem>>
        %dma_start3A_234 = tpu.memref_squeeze %dma_start3A_233 : memref<1x32x768xf32, #tpu.memory_space<vmem>> -> memref<32x768xf32, #tpu.memory_space<vmem>>
        %dma_start3A_235 = tpu.memref_slice %arg5[%mul3A_229] : memref<1024xi32, #tpu.memory_space<vmem>> -> memref<32xi32, #tpu.memory_space<vmem>>
        %dma_start3A_236 = arith.constant 0 : i32
        %dma_start3A_237 = arith.constant 0 : i32
        %dma_start3A_238 = tpu.memref_slice %arg2[%dma_start3A_236, %dma_start3A_237] : memref<100000x768xf32, #tpu.memory_space<hbm>> -> memref<100000x768xf32, #tpu.memory_space<hbm>>
        tpu.enqueue_indirect_dma source(%dma_start3A_238 : memref<100000x768xf32, #tpu.memory_space<hbm>>) target(%dma_start3A_234 : memref<32x768xf32, #tpu.memory_space<vmem>>) offsets(%dma_start3A_235 : memref<32xi32, #tpu.memory_space<vmem>>) semaphore(%arg7 : memref<!tpu.dma_semaphore, #tpu.memory_space<semaphore_mem>>)
        %add3A_239 = arith.constant 5 : i32
        %add3A_240 = arith.addi %add3A_115, %add3A_239 : i32
        %mul3A_241 = arith.constant 32 : i32
        %mul3A_242 = arith.muli %add3A_240, %mul3A_241 : i32
        %dma_start3A_243 = arith.constant 0 : i32
        %dma_start3A_244 = arith.constant 32 : i32
        %dma_start3A_245 = arith.constant 0 : i32
        %dma_start3A_246 = tpu.memref_slice %arg6[%dma_start3A_243, %dma_start3A_244, %dma_start3A_245] : memref<2x64x768xf32, #tpu.memory_space<vmem>> -> memref<1x32x768xf32, #tpu.memory_space<vmem>>
        %dma_start3A_247 = tpu.memref_squeeze %dma_start3A_246 : memref<1x32x768xf32, #tpu.memory_space<vmem>> -> memref<32x768xf32, #tpu.memory_space<vmem>>
        %dma_start3A_248 = tpu.memref_slice %arg5[%mul3A_242] : memref<1024xi32, #tpu.memory_space<vmem>> -> memref<32xi32, #tpu.memory_space<vmem>>
        %dma_start3A_249 = arith.constant 0 : i32
        %dma_start3A_250 = arith.constant 0 : i32
        %dma_start3A_251 = tpu.memref_slice %arg2[%dma_start3A_249, %dma_start3A_250] : memref<100000x768xf32, #tpu.memory_space<hbm>> -> memref<100000x768xf32, #tpu.memory_space<hbm>>
        tpu.enqueue_indirect_dma source(%dma_start3A_251 : memref<100000x768xf32, #tpu.memory_space<hbm>>) target(%dma_start3A_247 : memref<32x768xf32, #tpu.memory_space<vmem>>) offsets(%dma_start3A_248 : memref<32xi32, #tpu.memory_space<vmem>>) semaphore(%arg8 : memref<!tpu.dma_semaphore, #tpu.memory_space<semaphore_mem>>)
      } else {
      }
      %add3A_161 = arith.constant 2 : i32
      %add3A_162 = arith.addi %add3A_113, %add3A_161 : i32
      %mul3A_163 = arith.constant 32 : i32
      %mul3A_164 = arith.muli %add3A_162, %mul3A_163 : i32
      %dma_wait3A_165 = arith.constant 1 : i32
      %dma_wait3A_166 = arith.constant 0 : i32
      %dma_wait3A_167 = arith.constant 0 : i32
      %dma_wait3A_168 = tpu.memref_slice %arg6[%dma_wait3A_165, %dma_wait3A_166, %dma_wait3A_167] : memref<2x64x768xf32, #tpu.memory_space<vmem>> -> memref<1x32x768xf32, #tpu.memory_space<vmem>>
      %dma_wait3A_169 = tpu.memref_squeeze %dma_wait3A_168 : memref<1x32x768xf32, #tpu.memory_space<vmem>> -> memref<32x768xf32, #tpu.memory_space<vmem>>
      %dma_wait3A_170 = tpu.memref_slice %arg5[%mul3A_164] : memref<1024xi32, #tpu.memory_space<vmem>> -> memref<32xi32, #tpu.memory_space<vmem>>
      %dma_wait3A_171 = arith.constant 0 : i32
      %dma_wait3A_172 = arith.constant 0 : i32
      %dma_wait3A_173 = tpu.memref_slice %arg2[%dma_wait3A_171, %dma_wait3A_172] : memref<100000x768xf32, #tpu.memory_space<hbm>> -> memref<100000x768xf32, #tpu.memory_space<hbm>>
      tpu.wait_indirect_dma semaphore(%arg9 : memref<!tpu.dma_semaphore, #tpu.memory_space<semaphore_mem>>) src(%dma_wait3A_173 : memref<100000x768xf32, #tpu.memory_space<hbm>>) dst(%dma_wait3A_169 : memref<32x768xf32, #tpu.memory_space<vmem>>)
      %add3A_174 = arith.constant 1 : i32
      %add3A_175 = arith.addi %add3A_162, %add3A_174 : i32
      %mul3A_176 = arith.constant 32 : i32
      %mul3A_177 = arith.muli %add3A_175, %mul3A_176 : i32
      %dma_wait3A_178 = arith.constant 1 : i32
      %dma_wait3A_179 = arith.constant 32 : i32
      %dma_wait3A_180 = arith.constant 0 : i32
      %dma_wait3A_181 = tpu.memref_slice %arg6[%dma_wait3A_178, %dma_wait3A_179, %dma_wait3A_180] : memref<2x64x768xf32, #tpu.memory_space<vmem>> -> memref<1x32x768xf32, #tpu.memory_space<vmem>>
      %dma_wait3A_182 = tpu.memref_squeeze %dma_wait3A_181 : memref<1x32x768xf32, #tpu.memory_space<vmem>> -> memref<32x768xf32, #tpu.memory_space<vmem>>
      %dma_wait3A_183 = tpu.memref_slice %arg5[%mul3A_177] : memref<1024xi32, #tpu.memory_space<vmem>> -> memref<32xi32, #tpu.memory_space<vmem>>
      %dma_wait3A_184 = arith.constant 0 : i32
      %dma_wait3A_185 = arith.constant 0 : i32
      %dma_wait3A_186 = tpu.memref_slice %arg2[%dma_wait3A_184, %dma_wait3A_185] : memref<100000x768xf32, #tpu.memory_space<hbm>> -> memref<100000x768xf32, #tpu.memory_space<hbm>>
      tpu.wait_indirect_dma semaphore(%arg10 : memref<!tpu.dma_semaphore, #tpu.memory_space<semaphore_mem>>) src(%dma_wait3A_186 : memref<100000x768xf32, #tpu.memory_space<hbm>>) dst(%dma_wait3A_182 : memref<32x768xf32, #tpu.memory_space<vmem>>)
      %mul3A_187 = arith.constant 32 : i32
      %mul3A_188 = arith.muli %add3A_162, %mul3A_187 : i32
      %add3A_189 = arith.addi %mul3A_2, %mul3A_188 : i32
      %dma_start3A_190 = arith.constant 1 : i32
      %dma_start3A_191 = arith.constant 0 : i32
      %dma_start3A_192 = arith.constant 0 : i32
      %dma_start3A_193 = tpu.memref_slice %arg6[%dma_start3A_190, %dma_start3A_191, %dma_start3A_192] : memref<2x64x768xf32, #tpu.memory_space<vmem>> -> memref<1x64x768xf32, #tpu.memory_space<vmem>>
      %dma_start3A_194 = tpu.memref_squeeze %dma_start3A_193 : memref<1x64x768xf32, #tpu.memory_space<vmem>> -> memref<64x768xf32, #tpu.memory_space<vmem>>
      %dma_start3A_195 = arith.constant 0 : i32
      %dma_start3A_196 = tpu.memref_slice %arg4[%add3A_189, %dma_start3A_195] : memref<32768x768xf32, #tpu.memory_space<hbm>> -> memref<64x768xf32, #tpu.memory_space<hbm>>
      %dma_start3A_197 = arith.constant 0 : i32
      %dma_start3A_198 = tpu.memref_slice %arg4[%add3A_189, %dma_start3A_197] : memref<32768x768xf32, #tpu.memory_space<hbm>> -> memref<64x768xf32, #tpu.memory_space<hbm>>
      %dma_start3A_199 = arith.constant 0 : i32
      %dma_start3A_200 = arith.constant 0 : i32
      %dma_start3A_201 = tpu.memref_slice %arg6[%dma_start3A_190, %dma_start3A_199, %dma_start3A_200] : memref<2x64x768xf32, #tpu.memory_space<vmem>> -> memref<1x64x768xf32, #tpu.memory_space<vmem>>
      %dma_start3A_202 = tpu.memref_squeeze %dma_start3A_201 : memref<1x64x768xf32, #tpu.memory_space<vmem>> -> memref<64x768xf32, #tpu.memory_space<vmem>>
      tpu.enqueue_dma source(%dma_start3A_202 : memref<64x768xf32, #tpu.memory_space<vmem>>) target(%dma_start3A_198 : memref<64x768xf32, #tpu.memory_space<hbm>>) target_semaphore(%arg12 : memref<!tpu.dma_semaphore, #tpu.memory_space<semaphore_mem>>)
      %add3A_203 = arith.constant 4 : i32
      %add3A_204 = arith.addi %add3A_162, %add3A_203 : i32
      %lt3A_205 = arith.constant 32 : i32
      %lt3A_206 = arith.cmpi slt, %add3A_204, %lt3A_205 : i32
      %convert_element_type3A_207 = arith.extui %lt3A_206 : i1 to i32
      %cond3A_208 = arith.constant 0 : i32
      %cond3A_209 = arith.cmpi ne, %convert_element_type3A_207, %cond3A_208 : i32
      scf.if %cond3A_209 {
        %mul3A_210 = arith.constant 32 : i32
        %mul3A_211 = arith.muli %add3A_162, %mul3A_210 : i32
        %add3A_212 = arith.addi %mul3A_2, %mul3A_211 : i32
        %dma_wait3A_213 = arith.constant 1 : i32
        %dma_wait3A_214 = arith.constant 0 : i32
        %dma_wait3A_215 = arith.constant 0 : i32
        %dma_wait3A_216 = tpu.memref_slice %arg6[%dma_wait3A_213, %dma_wait3A_214, %dma_wait3A_215] : memref<2x64x768xf32, #tpu.memory_space<vmem>> -> memref<1x64x768xf32, #tpu.memory_space<vmem>>
        %dma_wait3A_217 = tpu.memref_squeeze %dma_wait3A_216 : memref<1x64x768xf32, #tpu.memory_space<vmem>> -> memref<64x768xf32, #tpu.memory_space<vmem>>
        %dma_wait3A_218 = arith.constant 0 : i32
        %dma_wait3A_219 = tpu.memref_slice %arg4[%add3A_212, %dma_wait3A_218] : memref<32768x768xf32, #tpu.memory_space<hbm>> -> memref<64x768xf32, #tpu.memory_space<hbm>>
        %dma_wait3A_220 = arith.constant 0 : i32
        %dma_wait3A_221 = tpu.memref_slice %arg4[%add3A_212, %dma_wait3A_220] : memref<32768x768xf32, #tpu.memory_space<hbm>> -> memref<64x768xf32, #tpu.memory_space<hbm>>
        %dma_wait3A_222 = arith.constant 0 : i32
        %dma_wait3A_223 = arith.constant 0 : i32
        %dma_wait3A_224 = tpu.memref_slice %arg6[%dma_wait3A_213, %dma_wait3A_222, %dma_wait3A_223] : memref<2x64x768xf32, #tpu.memory_space<vmem>> -> memref<1x64x768xf32, #tpu.memory_space<vmem>>
        %dma_wait3A_225 = tpu.memref_squeeze %dma_wait3A_224 : memref<1x64x768xf32, #tpu.memory_space<vmem>> -> memref<64x768xf32, #tpu.memory_space<vmem>>
        tpu.wait_dma2 semaphore(%arg12 : memref<!tpu.dma_semaphore, #tpu.memory_space<semaphore_mem>>) src(%dma_wait3A_225 : memref<64x768xf32, #tpu.memory_space<vmem>>) dst(%dma_wait3A_221 : memref<64x768xf32, #tpu.memory_space<hbm>>)
        %add3A_226 = arith.constant 4 : i32
        %add3A_227 = arith.addi %add3A_162, %add3A_226 : i32
        %mul3A_228 = arith.constant 32 : i32
        %mul3A_229 = arith.muli %add3A_227, %mul3A_228 : i32
        %dma_start3A_230 = arith.constant 1 : i32
        %dma_start3A_231 = arith.constant 0 : i32
        %dma_start3A_232 = arith.constant 0 : i32
        %dma_start3A_233 = tpu.memref_slice %arg6[%dma_start3A_230, %dma_start3A_231, %dma_start3A_232] : memref<2x64x768xf32, #tpu.memory_space<vmem>> -> memref<1x32x768xf32, #tpu.memory_space<vmem>>
        %dma_start3A_234 = tpu.memref_squeeze %dma_start3A_233 : memref<1x32x768xf32, #tpu.memory_space<vmem>> -> memref<32x768xf32, #tpu.memory_space<vmem>>
        %dma_start3A_235 = tpu.memref_slice %arg5[%mul3A_229] : memref<1024xi32, #tpu.memory_space<vmem>> -> memref<32xi32, #tpu.memory_space<vmem>>
        %dma_start3A_236 = arith.constant 0 : i32
        %dma_start3A_237 = arith.constant 0 : i32
        %dma_start3A_238 = tpu.memref_slice %arg2[%dma_start3A_236, %dma_start3A_237] : memref<100000x768xf32, #tpu.memory_space<hbm>> -> memref<100000x768xf32, #tpu.memory_space<hbm>>
        tpu.enqueue_indirect_dma source(%dma_start3A_238 : memref<100000x768xf32, #tpu.memory_space<hbm>>) target(%dma_start3A_234 : memref<32x768xf32, #tpu.memory_space<vmem>>) offsets(%dma_start3A_235 : memref<32xi32, #tpu.memory_space<vmem>>) semaphore(%arg9 : memref<!tpu.dma_semaphore, #tpu.memory_space<semaphore_mem>>)
        %add3A_239 = arith.constant 5 : i32
        %add3A_240 = arith.addi %add3A_162, %add3A_239 : i32
        %mul3A_241 = arith.constant 32 : i32
        %mul3A_242 = arith.muli %add3A_240, %mul3A_241 : i32
        %dma_start3A_243 = arith.constant 1 : i32
        %dma_start3A_244 = arith.constant 32 : i32
        %dma_start3A_245 = arith.constant 0 : i32
        %dma_start3A_246 = tpu.memref_slice %arg6[%dma_start3A_243, %dma_start3A_244, %dma_start3A_245] : memref<2x64x768xf32, #tpu.memory_space<vmem>> -> memref<1x32x768xf32, #tpu.memory_space<vmem>>
        %dma_start3A_247 = tpu.memref_squeeze %dma_start3A_246 : memref<1x32x768xf32, #tpu.memory_space<vmem>> -> memref<32x768xf32, #tpu.memory_space<vmem>>
        %dma_start3A_248 = tpu.memref_slice %arg5[%mul3A_242] : memref<1024xi32, #tpu.memory_space<vmem>> -> memref<32xi32, #tpu.memory_space<vmem>>
        %dma_start3A_249 = arith.constant 0 : i32
        %dma_start3A_250 = arith.constant 0 : i32
        %dma_start3A_251 = tpu.memref_slice %arg2[%dma_start3A_249, %dma_start3A_250] : memref<100000x768xf32, #tpu.memory_space<hbm>> -> memref<100000x768xf32, #tpu.memory_space<hbm>>
        tpu.enqueue_indirect_dma source(%dma_start3A_251 : memref<100000x768xf32, #tpu.memory_space<hbm>>) target(%dma_start3A_247 : memref<32x768xf32, #tpu.memory_space<vmem>>) offsets(%dma_start3A_248 : memref<32xi32, #tpu.memory_space<vmem>>) semaphore(%arg10 : memref<!tpu.dma_semaphore, #tpu.memory_space<semaphore_mem>>)
      } else {
      }
    }
    %scan3A_79 = arith.constant 8 : i32
    %add3A_80 = arith.constant 896 : i32
    %add3A_81 = arith.addi %mul3A_2, %add3A_80 : i32
    %dma_wait3A = arith.constant 0 : i32
    %dma_wait3A_82 = arith.constant 0 : i32
    %dma_wait3A_83 = arith.constant 0 : i32
    %dma_wait3A_84 = tpu.memref_slice %arg6[%dma_wait3A, %dma_wait3A_82, %dma_wait3A_83] : memref<2x64x768xf32, #tpu.memory_space<vmem>> -> memref<1x64x768xf32, #tpu.memory_space<vmem>>
    %dma_wait3A_85 = tpu.memref_squeeze %dma_wait3A_84 : memref<1x64x768xf32, #tpu.memory_space<vmem>> -> memref<64x768xf32, #tpu.memory_space<vmem>>
    %dma_wait3A_86 = arith.constant 0 : i32
    %dma_wait3A_87 = tpu.memref_slice %arg4[%add3A_81, %dma_wait3A_86] : memref<32768x768xf32, #tpu.memory_space<hbm>> -> memref<64x768xf32, #tpu.memory_space<hbm>>
    %dma_wait3A_88 = arith.constant 0 : i32
    %dma_wait3A_89 = tpu.memref_slice %arg4[%add3A_81, %dma_wait3A_88] : memref<32768x768xf32, #tpu.memory_space<hbm>> -> memref<64x768xf32, #tpu.memory_space<hbm>>
    %dma_wait3A_90 = arith.constant 0 : i32
    %dma_wait3A_91 = arith.constant 0 : i32
    %dma_wait3A_92 = tpu.memref_slice %arg6[%dma_wait3A, %dma_wait3A_90, %dma_wait3A_91] : memref<2x64x768xf32, #tpu.memory_space<vmem>> -> memref<1x64x768xf32, #tpu.memory_space<vmem>>
    %dma_wait3A_93 = tpu.memref_squeeze %dma_wait3A_92 : memref<1x64x768xf32, #tpu.memory_space<vmem>> -> memref<64x768xf32, #tpu.memory_space<vmem>>
    tpu.wait_dma2 semaphore(%arg11 : memref<!tpu.dma_semaphore, #tpu.memory_space<semaphore_mem>>) src(%dma_wait3A_93 : memref<64x768xf32, #tpu.memory_space<vmem>>) dst(%dma_wait3A_89 : memref<64x768xf32, #tpu.memory_space<hbm>>)
    %add3A_94 = arith.constant 960 : i32
    %add3A_95 = arith.addi %mul3A_2, %add3A_94 : i32
    %dma_wait3A_96 = arith.constant 1 : i32
    %dma_wait3A_97 = arith.constant 0 : i32
    %dma_wait3A_98 = arith.constant 0 : i32
    %dma_wait3A_99 = tpu.memref_slice %arg6[%dma_wait3A_96, %dma_wait3A_97, %dma_wait3A_98] : memref<2x64x768xf32, #tpu.memory_space<vmem>> -> memref<1x64x768xf32, #tpu.memory_space<vmem>>
    %dma_wait3A_100 = tpu.memref_squeeze %dma_wait3A_99 : memref<1x64x768xf32, #tpu.memory_space<vmem>> -> memref<64x768xf32, #tpu.memory_space<vmem>>
    %dma_wait3A_101 = arith.constant 0 : i32
    %dma_wait3A_102 = tpu.memref_slice %arg4[%add3A_95, %dma_wait3A_101] : memref<32768x768xf32, #tpu.memory_space<hbm>> -> memref<64x768xf32, #tpu.memory_space<hbm>>
    %dma_wait3A_103 = arith.constant 0 : i32
    %dma_wait3A_104 = tpu.memref_slice %arg4[%add3A_95, %dma_wait3A_103] : memref<32768x768xf32, #tpu.memory_space<hbm>> -> memref<64x768xf32, #tpu.memory_space<hbm>>
    %dma_wait3A_105 = arith.constant 0 : i32
    %dma_wait3A_106 = arith.constant 0 : i32
    %dma_wait3A_107 = tpu.memref_slice %arg6[%dma_wait3A_96, %dma_wait3A_105, %dma_wait3A_106] : memref<2x64x768xf32, #tpu.memory_space<vmem>> -> memref<1x64x768xf32, #tpu.memory_space<vmem>>
    %dma_wait3A_108 = tpu.memref_squeeze %dma_wait3A_107 : memref<1x64x768xf32, #tpu.memory_space<vmem>> -> memref<64x768xf32, #tpu.memory_space<vmem>>
    tpu.wait_dma2 semaphore(%arg12 : memref<!tpu.dma_semaphore, #tpu.memory_space<semaphore_mem>>) src(%dma_wait3A_108 : memref<64x768xf32, #tpu.memory_space<vmem>>) dst(%dma_wait3A_104 : memref<64x768xf32, #tpu.memory_space<hbm>>)
    return
  }
}

</mosaic_0001>

<sc_bundles>
// kernel: kernel.3.cloned.1.call-start
scs
__scs_entry_jumppad:
0x0: {  	(pc) =	sbr.rel $0x88, $3  }
0x1: {  	(tag) =	ssettag $0x0;
	lr =	simm.s32 $0x1  }
0x2: {  	[smem:$0x3F9F] =	sst lr;
	_ =	strace $0xD0000000  }
0x3: {  	_ = 	snop  }
0x4: {  	_ = 	snop  }
0x5: {  	_ = 	snop  }
0x6: {  	_ = 	snop  }
0x7: {  	_ = 	snop  }
__scs_overlays_trampoline_lowered:
0x8: {  	[smem:$0x3FAE] =	sst s0  }
0x9: {  	[smem:$0x3FAF] =	sst s1  }
0xa: {  	[smem:$0x3FB0] =	sst s2  }
0xb: {  	[smem:$0x3FB1] =	sst s3  }
0xc: {  	[smem:$0x3FB2] =	sst s4  }
0xd: {  	[smem:$0x3FB3] =	sst s5  }
0xe: {  	[smem:$0x3FB4] =	sst s6  }
0xf: {  	[smem:$0x3FB5] =	sst s7  }
0x10: {  	[smem:$0x3FB6] =	sst s8  }
0x11: {  	[smem:$0x3FB7] =	sst s9;
	s0 =	simm.s32 @!p0 $0x0  }
0x12: {  	s1 =	sld [smem:$0x3F9D];
	s0 =	simm.s32 @p0 $0x1  }
0x13: {  	[smem:$0x3FB8] =	sst s0;
	s0 =	simm.s32 @!p1 $0x0  }
0x14: {  	s2 =	sld [smem:$0x3F9C];
	s0 =	simm.s32 @p1 $0x1  }
0x15: {  	[smem:$0x3FB9] =	sst s0;
	s0 =	simm.s32 @!p2 $0x0  }
0x16: {  	s3 =	sld [smem:$0x3FDB];
	s0 =	simm.s32 @p2 $0x1  }
0x17: {  	s4 =	simm.s32 $0x1BF5;
	[smem:$0x3FBB] =	sst s0  }
0x18: {  	s0 =	sld [smem:$0x3F9E];
	_ =	swait.ge [sflag:s4], $0x0  }
0x19: {  	s7 =	sld [smem:$0x3F9F]  }
0x1a: {  	s8 =	sadd.s32 $0xFFFFE003, lr  }
0x1b: {  	s9 =	sadd.s32 $0xFFFFFEF7, lr;
	s5 =	simm.s32 $0xFFFFFFFF;
	p2 =	slt.u32 s8, $0xFFFFF086  }
0x1c: {  	p1 =	slt.u32 s9, $0xF7A;
	s5 =	simm.s32 @!p2 $0x0  }
0x1d: {  	s5 =	simm.s32 @p1 $0x1;
	p0 =	seq.s32 s7, s2  }
0x1e: {  	s7 =	smul.u32 @!p0 $0xF7A, s2;
	p2 =	seq.s32 @!p0 s5, $0x0  }
0x1f: {  	s9 =	smul.u32 $0xF7A, s1;
	s8 =	simm.s32 @!p0 $0x1BF5;
	p2 =	por !p2, p0  }
0x20: {  	[sflag:s8] =	ssyncset.s32 @!p0 $0xFFFFF086;
	s6 =	sadd.s32 @!p0 s3, s7;
	s7 =	simm.s32 @!p0 $0x108  }
0x21: {  	s3 =	sadd.s32 s3, s9;
	s6 =	sadd.s32 @!p0 $0x88, s6;
	s7 =	simm.s32 @p2 $0x1082  }
0x22: {  	[simem:s7], [sflag:s8] =	dma.local @!p0 [hbm:s6], $0xF7A  }
0x23: {  	s9 =	sor.u32 $0xD0000000, s2;
	s6 =	simm.s32 $0x108;
	_ =	swait.ge @!p0 [sflag:s8], $0x0  }
0x24: {  	s3 =	sadd.s32 $0x88, s3;
	s6 =	simm.s32 @!p1 $0x1082;
	[sflag:s4] =	ssyncset.s32 $0xFFFFF086  }
0x25: {  	[simem:s6], [sflag:s4] =	dma.local [hbm:s3], $0xF7A  }
0x26: {  	[smem:$0x3F9F] =	sst s1;
	(tag) =	ssettag s2;
	_ =	strace s9  }
0x27: {  	s1 =	sld [smem:$0x3FAF]  }
0x28: {  	s2 =	sld [smem:$0x3FB0]  }
0x29: {  	s4 =	sld [smem:$0x3FB2]  }
0x2a: {  	p0 =	seq.s32 s5, $0x0;
	s5 =	sld [smem:$0x3FB3]  }
0x2b: {  	s6 =	sld [smem:$0x3FB4]  }
0x2c: {  	s7 =	sld [smem:$0x3FB5]  }
0x2d: {  	s3 =	simm.s32 $0x108;
	s8 =	sld [smem:$0x3FB6]  }
0x2e: {  	s3 =	simm.s32 @!p0 $0x1082;
	s9 =	sld [smem:$0x3FB7]  }
0x2f: {  	lr =	sadd.s32 s0, s3;
	s0 =	sld [smem:$0x3FAE]  }
0x30: {  	s3 =	sld [smem:$0x3FB1]  }
0x31: {  	[smem:$0x3FBA] =	sst s10  }
0x32: {  	s10 =	sld [smem:$0x3FB8];
	_ =	sdelay $0x3  }
0x33: {  	p0 =	seq.s32 s10, $0x1;
	s10 =	sld [smem:$0x3FBA];
	_ =	sdelay $0x3  }
0x34: {  	[smem:$0x3FBA] =	sst s10  }
0x35: {  	s10 =	sld [smem:$0x3FB9];
	_ =	sdelay $0x3  }
0x36: {  	p1 =	seq.s32 s10, $0x1;
	s10 =	sld [smem:$0x3FBA];
	_ =	sdelay $0x3  }
0x37: {  	[smem:$0x3FBA] =	sst s10  }
0x38: {  	s10 =	sld [smem:$0x3FBB]  }
0x39: {  	_ = 	snop;
	(pc) =	sbr.ind lr, $3  }
0x3a: {  	_ = 	snop  }
0x3b: {  	_ = 	snop  }
0x3c: {  	p2 =	seq.s32 s10, $0x1;
	s10 =	sld [smem:$0x3FBA]  }
0x3d: {  	_ =	shalt  }
0x3e: {  	_ =	shalt  }
0x3f: {  	_ =	shalt  }
0x40: {  	_ =	shalt  }
0x41: {  	_ =	shalt  }
0x42: {  	_ =	shalt  }
0x43: {  	_ =	shalt  }
0x44: {  	_ =	shalt  }
0x45: {  	_ =	shalt  }
0x46: {  	_ =	shalt  }
0x47: {  	_ =	shalt  }
0x48: {  	_ =	shalt  }
0x49: {  	_ =	shalt  }
0x4a: {  	_ =	shalt  }
0x4b: {  	_ =	shalt  }
0x4c: {  	_ =	shalt  }
0x4d: {  	_ =	shalt  }
0x4e: {  	_ =	shalt  }
0x4f: {  	_ =	shalt  }
0x50: {  	_ =	shalt  }
0x51: {  	_ =	shalt  }
0x52: {  	_ =	shalt  }
0x53: {  	_ =	shalt  }
0x54: {  	_ =	shalt  }
0x55: {  	_ =	shalt  }
0x56: {  	_ =	shalt  }
0x57: {  	_ =	shalt  }
0x58: {  	_ =	shalt  }
0x59: {  	_ =	shalt  }
0x5a: {  	_ =	shalt  }
0x5b: {  	_ =	shalt  }
0x5c: {  	_ =	shalt  }
0x5d: {  	_ =	shalt  }
0x5e: {  	_ =	shalt  }
0x5f: {  	_ =	shalt  }
0x60: {  	_ =	shalt  }
0x61: {  	_ =	shalt  }
0x62: {  	_ =	shalt  }
0x63: {  	_ =	shalt  }
0x64: {  	_ =	shalt  }
0x65: {  	_ =	shalt  }
0x66: {  	_ =	shalt  }
0x67: {  	_ =	shalt  }
0x68: {  	_ =	shalt  }
0x69: {  	_ =	shalt  }
0x6a: {  	_ =	shalt  }
0x6b: {  	_ =	shalt  }
0x6c: {  	_ =	shalt  }
0x6d: {  	_ =	shalt  }
0x6e: {  	_ =	shalt  }
0x6f: {  	_ =	shalt  }
0x70: {  	_ =	shalt  }
0x71: {  	_ =	shalt  }
0x72: {  	_ =	shalt  }
0x73: {  	_ =	shalt  }
0x74: {  	_ =	shalt  }
0x75: {  	_ =	shalt  }
0x76: {  	_ =	shalt  }
0x77: {  	_ =	shalt  }
0x78: {  	_ =	shalt  }
0x79: {  	_ =	shalt  }
0x7a: {  	_ =	shalt  }
0x7b: {  	_ =	shalt  }
0x7c: {  	_ =	shalt  }
0x7d: {  	_ =	shalt  }
0x7e: {  	_ =	shalt  }
0x7f: {  	_ =	shalt  }
0x80: {  	_ =	shalt  }
0x81: {  	_ =	shalt  }
0x82: {  	_ =	shalt  }
0x83: {  	_ =	shalt  }
0x84: {  	_ =	shalt  }
0x85: {  	_ =	shalt  }
0x86: {  	_ =	shalt  }
0x87: {  	_ =	shalt  }
.Lfunc_end0:
.L_simem_size_0:
called_computation_lowered:
.L_overlay_start_0:
0x88: {  	s2 =	sld [smem:$0x3FD9]  }
0x89: {  	s3 =	sld [smem:$0x3FFE];
	_ =	sdelay $0x1  }
0x8a: {  	s1 =	srdreg.scid  }
0x8b: {  	s0 =	sand.u32 $0x1, s1  }
0x8c: {  	s18 =	sshll.u32 s0, $0xA;
	s2 =	sadd.s32 s3, s2  }
0x8d: {  	s2 =	sadd.s32 s2, s18  }
0x8e: {  	[smem:$0x3FC6] =	sst s2  }
0x8f: {  	_ = 	snop  }
0x90: {  	s2 =	sld [smem:$0x3FC9]  }
0x91: {  	s19 =	sld [smem:$0x3FC8]  }
0x92: {  	s4 =	sld [smem:$0x3FD0];
	(tm) =	ssettm $0x1  }
0x93: {  	s5 =	sld [smem:$0x3FFB];
	_ =	sdelay $0x3  }
0x94: {  	_ =	strace s5  }
0x95: {  	s5 =	sld [smem:$0x3FFC];
	_ =	sdelay $0x3  }
0x96: {  	_ =	strace s5  }
0x97: {  	s5 =	sld [smem:$0x3FFD];
	_ =	sdelay $0x3  }
0x98: {  	_ =	strace s5  }
0x99: {  	_ =	strace $0x8FFFFFFF  }
0x9a: {  	s20 =	sld [smem:$0x3FDB];
	_ =	sdelay $0x1  }
0x9b: {  	s6 =	simm.s32 $_scs_section_size  }
0x9c: {  	s7 =	simm.s32 $_size__tile_overlayer_lowered;
	s8 =	simm.s32 $_tile_overlayer_lowered  }
0x9d: {  	s23 =	simm.s32 $0x1BFF;
	s22 =	sshll.u32 s8, $0x1;
	s5 =	sadd.s32 s6, s20  }
0x9e: {  	s9 =	simm.s32 $0x0;
	s21 =	sshll.u32 s7, $0x1;
	s7 =	sadd.s32 s22, s5  }
0x9f: {  	[timem:s9], [sflag:s23] =	dma.local [hbm:s7], s21  }
0xa0: {  	_ =	swait.ge [sflag:s23], s21  }
0xa1: {  	s6 =	ssub.s32 $0x0, s21;
	[sflag:s23] =	ssyncset.done $0x0  }
0xa2: {  	[sflag:s23] =	ssyncadd.s32 s6;
	_ =	sdelay $0x1  }
0xa3: {  	s24 =	simm.s32 $0x1B8B  }
0xa4: {  	_ =	swait.ge [sflag:s24], $0x1  }
0xa5: {  	[sflag:s24] =	ssyncset.done $0x0  }
0xa6: {  	s25 =	simm.s32 $0x1B8E;
	[sflag:s24] =	ssyncadd.s32 $0xFFFFFFFF  }
0xa7: {  	s26 =	simm.s32 $execute0_lowered;
	[smem:$0x3FD2] =	sst s25  }
0xa8: {  	s6 =	sshll.u32 s26, $0x1;
	_ =	strace $0x80000046;
	[dreg:$0x1] =	wrdreg $0xFFFFFFFF  }
0xa9: {  	s28 =	simm.s32 $_size_execute0_lowered;
	s5 =	sadd.s32 s5, s6;
	[dreg:$0x0] =	wrdreg $0x0  }
0xaa: {  	s6 =	sshll.u32 s28, $0x1;
	[dreg:$0x2] =	wrdreg s5  }
0xab: {  	[dreg:$0x3] =	wrdreg s6  }
0xac: {  	[dreg:$0x4] =	wrdreg $0xC0  }
0xad: {  	_ =	task [dreg:s9], $0x5FFFF  }
0xae: {  	[dreg:$0x1] =	wrdreg $0xFFFFFFFF  }
0xaf: {  	[dreg:$0x0] =	wrdreg $0x60  }
0xb0: {  	[dreg:$0x2] =	wrdreg s19  }
0xb1: {  	[dreg:$0x3] =	wrdreg s2  }
0xb2: {  	[dreg:$0x4] =	wrdreg s4  }
0xb3: {  	[dreg:$0x5] =	wrdreg $0x9  }
0xb4: {  	_ =	task.clear_ibuf [dreg:s9], $0x6FFFF;
	_ =	strace $0x90000046  }
0xb5: {  	s29 =	simm.s32 $0x9;
	_ =	strace $0x80000048  }
0xb6: {  	_ =	swait.ge [sflag:s29], $0x1  }
0xb7: {  	[sflag:s29] =	ssyncadd.s32 $0xFFFFFFFF  }
0xb8: {  	_ =	strace $0x90000048  }
0xb9: {  	_ =	sfence  }
0xba: {  	s30 =	sld [smem:$0x0];
	_ =	sdelay $0x2  }
0xbb: {  	s31 =	sshll.u32 s1, $0xD;
	s1 =	sshrl.u32 s1, $0x2  }
0xbc: {  	s3 =	sand.u32 $0x4000, s31;
	s1 =	sadd.s32 s1, s30  }
0xbd: {  	s0 =	sor.u32 s3, s0;
	s1 =	sshll.u32 s1, $0x11  }
0xbe: {  	s0 =	sor.u32 s1, s0  }
0xbf: {  	s0 =	sadd.s32 $0x8F2B, s0  }
0xc0: {  	[sflag:s0] =	ssyncadd.remote.s32 $0x1  }
0xc1: {  	_ =	sfence.sel $0xFFFF  }
0xc2: {  	[dreg:$0x0] =	wrdreg $0xFFFFFFFF;
	(pc) =	sbr.abs _section_cstart, $3  }
0xc3: {  	[dreg:$0x1] =	wrdreg $0xFFFFFFFF  }
0xc4: {  	_ =	task.clear_ibuf [dreg:s9], $0x2FFFF;
	_ =	strace $0x9FFFFFFF  }
0xc5: {  	(tm) =	ssettm $0x7FFFFFFF  }
tec
execute0_lowered:
.L_overlay_start_1:
0x0: {  	(tag) =	ssettag $0x1  }
0x1: {  	s1 =	rddreg [dreg:$0x0]  }
0x2: {  	s0 =	rddreg [dreg:$0x1]  }
0x3: {  	s2 =	rddreg [dreg:$0x2]  }
0x4: {  	s4 =	srdreg.scid;
	s3 =	simm.s32 $0x0;
	s7 =	stileid.u32  }
0x5: {  	s11 =	simm.s32 $0x400;
	s19 =	simm.s32 $0xCC00;
	s20 =	simm.s32 $0x11400  }
0x6: {  	s21 =	simm.s32 $0x11C00;
	s28 =	simm.s32 $0x14C00;
	s29 =	simm.s32 $0x15400  }
0x7: {  	s30 =	simm.s32 $0x15C00;
	s31 =	simm.s32 $0x16400;
	s10 =	simm.s32 $0x2  }
0x8: {  	s12 =	simm.s32 $0x3;
	s13 =	simm.s32 $0x4;
	s14 =	simm.s32 $0x5  }
0x9: {  	s15 =	simm.s32 $0x6;
	s17 =	simm.s32 $0x0;
	s4 =	sand.u32 $0x1, s4  }
0xa: {  	[smem:$0x7FF] =	sst s3;
	s5 =	sshll.u32 s7, $0xA;
	s22 =	sshll.u32 s7, $0x2  }
0xb: {  	s7 =	sshll.u32 s7, $0xB;
	s6 =	sshll.u32 s4, $0x9;
	_ =	strace $0x80000047  }
0xc: {  	s8 =	sshll.u32 s4, $0xA;
	s4 =	ssub.s32 $0x2, s4;
	s5 =	sor.u32 s6, s5  }
0xd: {  	s23 =	sor.u32 s8, s7;
	s24 =	sshrl.u32 s4, $0x1;
	s8 =	simm.s32 $0x1  }
0xe: {  	s5 =	sor.u32 s22, s5;
	s6 =	sshrl.u32 s23, $0x3;
	s4 =	ssub.s32 s4, s24  }
0xf: {  	s22 =	simm.s32 $0x12400;
	s23 =	simm.s32 $0x12C00;
	s24 =	simm.s32 $0x13400  }
0x10: {  	s5 =	sand.u32 $0xE30, s5;
	s26 =	smul.u32 $0x300, s6;
	s6 =	sadd.s32 $0x200, s1  }
.Ltmp0:
0x11: {  	s4 =	smax.u32 s4, $0x1;
	s25 =	sadd.s32 s0, s5;
	(pc) =	sbr.rel .LBB2_1-.Ltmp0, $4  }
0x12: {  	s5 =	sadd.s32 $0x100, s1;
	[dreg:$0x6] =	wrdreg s4;
	s4 =	simm.s32 $0xC400  }
0x13: {  	v2 =	vlaneseq.u32;
	s0 =	simm.s32 $0x16C00;
	[dreg:$0x4] =	wrdreg s25;
	s7 =	sadd.s32 $0x40, s25  }
0x14: {  	vm0 =	vmmov $0xffff;
	v1 =	vshrl.u32 v2, $0x3;
	s9 =	sadd.s32 s26, s2;
	s25 =	simm.s32 $0x13C00;
	s26 =	simm.s32 $0x14400  }
0x15: {  	v0 =	vand.u32 $0x7, v2;
	v2 =	vor.u32 $0x8, v2;
	v1 =	vmul.u32 $0x8, v1;
	s2 =	simm.s32 $0x17400;
	[dreg:$0x5] =	wrdreg s7;
	s7 =	simm.s32 $0x17C00  }
.LBB2_6:
0x16: {  	_ =	swait.ge [sflag:s14], $0xC000  }
0x17: {  	[sflag:s14] =	ssyncset.done $0x0  }
0x18: {  	[sflag:s14] =	ssyncadd.s32 $0xFFFF4000  }
0x19: {  	_ =	swait.ge [sflag:s15], $0xC000  }
0x1a: {  	s17 =	rddreg [dreg:$0x7]  }
0x1b: {  	s16 =	rddreg [dreg:$0x6];
	s17 =	sadd.s32 $0x1, s17  }
0x1c: {  	p0 =	sne.s32 s17, s16  }
.Ltmp1:
0x1d: {  	_ = 	snop;
	(pc) =	sbr.rel @!p0 .LBB2_7-.Ltmp1, $3  }
0x1e: {  	_ =	sdelay $0x1  }
0x1f: {  	[sflag:s15] =	ssyncset.done $0x0  }
0x20: {  	[sflag:s15] =	ssyncadd.s32 $0xFFFF4000  }
.LBB2_1:
0x21: {  	[dreg:$0x7] =	wrdreg s17  }
0x22: {  	s16 =	rddreg [dreg:$0x4];
	s18 =	simm.s32 $0x7  }
0x23: {  	[tilespmem:s3], [sflag:$0x7] =	stream.linear.gather [hbm4b:s16+s3], $0x80, $0x38;
	[tilespmem:$0x18400] =	vst v63  }
0x24: {  	_ =	swait.ge [sflag:s18], $0x80  }
0x25: {  	[sflag:s18] =	ssyncset.done $0x0  }
0x26: {  	[sflag:s18] =	ssyncadd.s32 $0xFFFFFF80  }
0x27: {  	v3 =	vld [tilespmem:$0x0];
	_ =	sdelay $0x4  }
0x28: {  	v4 =	vshrl.u32 v3, $0x3  }
0x29: {  	v4 =	vmul.u32 $0x30, v4  }
0x2a: {  	v3 =	vand.u32 $0x7, v3  }
0x2b: {  	v3 =	vor.u32 v3, v4  }
0x2c: {  	v4 =	vperm.xlane v3, v0;
	_ =	sdelay $0x1  }
0x2d: {  	v4 =	vadd.s32 v1, v4;
	_ =	sdelay $0x3  }
0x2e: {  	v3 =	vperm.xlane v3, v2  }
0x2f: {  	[tilespmem:s11], [sflag:$0x1] =	stream.indirect_vreg.gather [hbm4b:s1+s3], $0x80, v4, vm0, $0xb8;
	[tilespmem:$0x18400] =	vst v63  }
0x30: {  	s17 =	simm.s32 $0xC00;
	v3 =	vadd.s32 v1, v3  }
0x31: {  	[tilespmem:s17], [sflag:$0x1] =	stream.indirect_vreg.gather [hbm4b:s5+s3], $0x80, v4, vm0, $0xb8;
	[tilespmem:$0x18400] =	vst v63  }
0x32: {  	s18 =	simm.s32 $0x1400  }
0x33: {  	[tilespmem:s18], [sflag:$0x1] =	stream.indirect_vreg.gather [hbm4b:s6+s3], $0x80, v4, vm0, $0xb8;
	[tilespmem:$0x18400] =	vst v63  }
0x34: {  	s17 =	simm.s32 $0x1C00  }
0x35: {  	[tilespmem:s17], [sflag:$0x1] =	stream.indirect_vreg.gather [hbm4b:s1+s3], $0x80, v3, vm0, $0xb8;
	[tilespmem:$0x18400] =	vst v63  }
0x36: {  	s18 =	simm.s32 $0x2400  }
0x37: {  	[tilespmem:s18], [sflag:$0x1] =	stream.indirect_vreg.gather [hbm4b:s5+s3], $0x80, v3, vm0, $0xb8;
	[tilespmem:$0x18400] =	vst v63  }
0x38: {  	s17 =	simm.s32 $0x2C00  }
0x39: {  	[tilespmem:s17], [sflag:$0x1] =	stream.indirect_vreg.gather [hbm4b:s6+s3], $0x80, v3, vm0, $0xb8;
	[tilespmem:$0x18400] =	vst v63  }
0x3a: {  	v3 =	vld [tilespmem:$0x10];
	_ =	sdelay $0x4  }
0x3b: {  	v57 =	vshrl.u32 v3, $0x3  }
0x3c: {  	v4 =	vmul.u32 $0x30, v57  }
0x3d: {  	v3 =	vand.u32 $0x7, v3  }
0x3e: {  	v3 =	vor.u32 v3, v4  }
0x3f: {  	v4 =	vperm.xlane v3, v0;
	_ =	sdelay $0x1  }
0x40: {  	v4 =	vadd.s32 v1, v4;
	_ =	sdelay $0x3  }
0x41: {  	s18 =	simm.s32 $0x3400;
	v3 =	vperm.xlane v3, v2  }
0x42: {  	[tilespmem:s18], [sflag:$0x1] =	stream.indirect_vreg.gather [hbm4b:s1+s3], $0x80, v4, vm0, $0xb8;
	[tilespmem:$0x18400] =	vst v63  }
0x43: {  	s17 =	simm.s32 $0x3C00;
	v3 =	vadd.s32 v1, v3  }
0x44: {  	[tilespmem:s17], [sflag:$0x1] =	stream.indirect_vreg.gather [hbm4b:s5+s3], $0x80, v4, vm0, $0xb8;
	[tilespmem:$0x18400] =	vst v63  }
0x45: {  	s18 =	simm.s32 $0x4400  }
0x46: {  	[tilespmem:s18], [sflag:$0x1] =	stream.indirect_vreg.gather [hbm4b:s6+s3], $0x80, v4, vm0, $0xb8;
	[tilespmem:$0x18400] =	vst v63  }
0x47: {  	s17 =	simm.s32 $0x4C00  }
0x48: {  	[tilespmem:s17], [sflag:$0x1] =	stream.indirect_vreg.gather [hbm4b:s1+s3], $0x80, v3, vm0, $0xb8;
	[tilespmem:$0x18400] =	vst v63  }
0x49: {  	s18 =	simm.s32 $0x5400  }
0x4a: {  	[tilespmem:s18], [sflag:$0x1] =	stream.indirect_vreg.gather [hbm4b:s5+s3], $0x80, v3, vm0, $0xb8;
	[tilespmem:$0x18400] =	vst v63  }
0x4b: {  	s17 =	simm.s32 $0x5C00  }
0x4c: {  	[tilespmem:s17], [sflag:$0x1] =	stream.indirect_vreg.gather [hbm4b:s6+s3], $0x80, v3, vm0, $0xb8;
	[tilespmem:$0x18400] =	vst v63  }
0x4d: {  	v3 =	vld [tilespmem:$0x20];
	_ =	sdelay $0x4  }
0x4e: {  	v58 =	vshrl.u32 v3, $0x3  }
0x4f: {  	v4 =	vmul.u32 $0x30, v58  }
0x50: {  	v3 =	vand.u32 $0x7, v3  }
0x51: {  	v3 =	vor.u32 v3, v4  }
0x52: {  	v4 =	vperm.xlane v3, v0;
	_ =	sdelay $0x1  }
0x53: {  	v4 =	vadd.s32 v1, v4;
	_ =	sdelay $0x3  }
0x54: {  	s18 =	simm.s32 $0x6400;
	v3 =	vperm.xlane v3, v2  }
0x55: {  	[tilespmem:s18], [sflag:$0x2] =	stream.indirect_vreg.gather [hbm4b:s1+s3], $0x80, v4, vm0, $0xb8;
	[tilespmem:$0x18400] =	vst v63  }
0x56: {  	s17 =	simm.s32 $0x6C00;
	v3 =	vadd.s32 v1, v3  }
0x57: {  	[tilespmem:s17], [sflag:$0x2] =	stream.indirect_vreg.gather [hbm4b:s5+s3], $0x80, v4, vm0, $0xb8;
	[tilespmem:$0x18400] =	vst v63  }
0x58: {  	s18 =	simm.s32 $0x7400  }
0x59: {  	[tilespmem:s18], [sflag:$0x2] =	stream.indirect_vreg.gather [hbm4b:s6+s3], $0x80, v4, vm0, $0xb8;
	[tilespmem:$0x18400] =	vst v63  }
0x5a: {  	s17 =	simm.s32 $0x7C00  }
0x5b: {  	[tilespmem:s17], [sflag:$0x2] =	stream.indirect_vreg.gather [hbm4b:s1+s3], $0x80, v3, vm0, $0xb8;
	[tilespmem:$0x18400] =	vst v63  }
0x5c: {  	s18 =	simm.s32 $0x8400  }
0x5d: {  	[tilespmem:s18], [sflag:$0x2] =	stream.indirect_vreg.gather [hbm4b:s5+s3], $0x80, v3, vm0, $0xb8;
	[tilespmem:$0x18400] =	vst v63  }
0x5e: {  	s17 =	simm.s32 $0x8C00  }
0x5f: {  	[tilespmem:s17], [sflag:$0x2] =	stream.indirect_vreg.gather [hbm4b:s6+s3], $0x80, v3, vm0, $0xb8;
	[tilespmem:$0x18400] =	vst v63  }
0x60: {  	v3 =	vld [tilespmem:$0x30];
	_ =	sdelay $0x4  }
0x61: {  	v59 =	vshrl.u32 v3, $0x3  }
0x62: {  	v4 =	vmul.u32 $0x30, v59  }
0x63: {  	v3 =	vand.u32 $0x7, v3  }
0x64: {  	v3 =	vor.u32 v3, v4  }
0x65: {  	v4 =	vperm.xlane v3, v0;
	_ =	sdelay $0x1  }
0x66: {  	v4 =	vadd.s32 v1, v4;
	_ =	sdelay $0x3  }
0x67: {  	s18 =	simm.s32 $0x9400;
	v3 =	vperm.xlane v3, v2  }
0x68: {  	[tilespmem:s18], [sflag:$0x2] =	stream.indirect_vreg.gather [hbm4b:s1+s3], $0x80, v4, vm0, $0xb8;
	[tilespmem:$0x18400] =	vst v63  }
0x69: {  	s17 =	simm.s32 $0x9C00;
	v3 =	vadd.s32 v1, v3  }
0x6a: {  	[tilespmem:s17], [sflag:$0x2] =	stream.indirect_vreg.gather [hbm4b:s5+s3], $0x80, v4, vm0, $0xb8;
	[tilespmem:$0x18400] =	vst v63  }
0x6b: {  	s18 =	simm.s32 $0xA400  }
0x6c: {  	[tilespmem:s18], [sflag:$0x2] =	stream.indirect_vreg.gather [hbm4b:s6+s3], $0x80, v4, vm0, $0xb8;
	[tilespmem:$0x18400] =	vst v63  }
0x6d: {  	s17 =	simm.s32 $0xAC00  }
0x6e: {  	[tilespmem:s17], [sflag:$0x2] =	stream.indirect_vreg.gather [hbm4b:s1+s3], $0x80, v3, vm0, $0xb8;
	[tilespmem:$0x18400] =	vst v63  }
0x6f: {  	s18 =	simm.s32 $0xB400  }
0x70: {  	[tilespmem:s18], [sflag:$0x2] =	stream.indirect_vreg.gather [hbm4b:s5+s3], $0x80, v3, vm0, $0xb8;
	[tilespmem:$0x18400] =	vst v63  }
0x71: {  	s17 =	simm.s32 $0xBC00  }
0x72: {  	[tilespmem:s17], [sflag:$0x2] =	stream.indirect_vreg.gather [hbm4b:s6+s3], $0x80, v3, vm0, $0xb8;
	[tilespmem:$0x18400] =	vst v63  }
0x73: {  	v3 =	vld [tilespmem:$0x40];
	_ =	sdelay $0x4  }
0x74: {  	v60 =	vshrl.u32 v3, $0x3  }
0x75: {  	v4 =	vmul.u32 $0x30, v60  }
0x76: {  	v3 =	vand.u32 $0x7, v3  }
0x77: {  	v3 =	vor.u32 v3, v4  }
0x78: {  	v4 =	vperm.xlane v3, v0;
	_ =	sdelay $0x1  }
0x79: {  	v4 =	vadd.s32 v1, v4;
	_ =	sdelay $0x3  }
0x7a: {  	v3 =	vperm.xlane v3, v2  }
0x7b: {  	[tilespmem:s4], [sflag:$0x3] =	stream.indirect_vreg.gather [hbm4b:s1+s3], $0x80, v4, vm0, $0xb8;
	[tilespmem:$0x18400] =	vst v63  }
0x7c: {  	v3 =	vadd.s32 v1, v3  }
0x7d: {  	[tilespmem:s19], [sflag:$0x3] =	stream.indirect_vreg.gather [hbm4b:s5+s3], $0x80, v4, vm0, $0xb8;
	[tilespmem:$0x18400] =	vst v63  }
0x7e: {  	s18 =	simm.s32 $0xD400  }
0x7f: {  	[tilespmem:s18], [sflag:$0x3] =	stream.indirect_vreg.gather [hbm4b:s6+s3], $0x80, v4, vm0, $0xb8;
	[tilespmem:$0x18400] =	vst v63  }
0x80: {  	s17 =	simm.s32 $0xDC00  }
0x81: {  	[tilespmem:s17], [sflag:$0x3] =	stream.indirect_vreg.gather [hbm4b:s1+s3], $0x80, v3, vm0, $0xb8;
	[tilespmem:$0x18400] =	vst v63  }
0x82: {  	s18 =	simm.s32 $0xE400  }
0x83: {  	[tilespmem:s18], [sflag:$0x3] =	stream.indirect_vreg.gather [hbm4b:s5+s3], $0x80, v3, vm0, $0xb8;
	[tilespmem:$0x18400] =	vst v63  }
0x84: {  	s17 =	simm.s32 $0xEC00  }
0x85: {  	[tilespmem:s17], [sflag:$0x3] =	stream.indirect_vreg.gather [hbm4b:s6+s3], $0x80, v3, vm0, $0xb8;
	[tilespmem:$0x18400] =	vst v63  }
0x86: {  	v3 =	vld [tilespmem:$0x50];
	_ =	sdelay $0x4  }
0x87: {  	v61 =	vshrl.u32 v3, $0x3  }
0x88: {  	v4 =	vmul.u32 $0x30, v61  }
0x89: {  	v3 =	vand.u32 $0x7, v3  }
0x8a: {  	v3 =	vor.u32 v3, v4  }
0x8b: {  	v4 =	vperm.xlane v3, v0;
	_ =	sdelay $0x1  }
0x8c: {  	v4 =	vadd.s32 v1, v4;
	_ =	sdelay $0x3  }
0x8d: {  	s18 =	simm.s32 $0xF400;
	v3 =	vperm.xlane v3, v2  }
0x8e: {  	[tilespmem:s18], [sflag:$0x3] =	stream.indirect_vreg.gather [hbm4b:s1+s3], $0x80, v4, vm0, $0xb8;
	[tilespmem:$0x18400] =	vst v63  }
0x8f: {  	s17 =	simm.s32 $0xFC00;
	v3 =	vadd.s32 v1, v3  }
0x90: {  	[tilespmem:s17], [sflag:$0x3] =	stream.indirect_vreg.gather [hbm4b:s5+s3], $0x80, v4, vm0, $0xb8;
	[tilespmem:$0x18400] =	vst v63  }
0x91: {  	s18 =	simm.s32 $0x10400  }
0x92: {  	[tilespmem:s18], [sflag:$0x3] =	stream.indirect_vreg.gather [hbm4b:s6+s3], $0x80, v4, vm0, $0xb8;
	[tilespmem:$0x18400] =	vst v63  }
0x93: {  	s17 =	simm.s32 $0x10C00  }
0x94: {  	[tilespmem:s17], [sflag:$0x3] =	stream.indirect_vreg.gather [hbm4b:s1+s3], $0x80, v3, vm0, $0xb8;
	[tilespmem:$0x18400] =	vst v63  }
0x95: {  	_ = 	snop  }
0x96: {  	[tilespmem:s20], [sflag:$0x3] =	stream.indirect_vreg.gather [hbm4b:s5+s3], $0x80, v3, vm0, $0xb8;
	[tilespmem:$0x18400] =	vst v63  }
0x97: {  	_ = 	snop  }
0x98: {  	[tilespmem:s21], [sflag:$0x3] =	stream.indirect_vreg.gather [hbm4b:s6+s3], $0x80, v3, vm0, $0xb8;
	[tilespmem:$0x18400] =	vst v63  }
0x99: {  	v3 =	vld [tilespmem:$0x60];
	_ =	sdelay $0x4  }
0x9a: {  	v62 =	vshrl.u32 v3, $0x3  }
0x9b: {  	v4 =	vmul.u32 $0x30, v62  }
0x9c: {  	v3 =	vand.u32 $0x7, v3  }
0x9d: {  	v3 =	vor.u32 v3, v4  }
0x9e: {  	v4 =	vperm.xlane v3, v0;
	_ =	sdelay $0x1  }
0x9f: {  	v4 =	vadd.s32 v1, v4;
	_ =	sdelay $0x3  }
0xa0: {  	v3 =	vperm.xlane v3, v2  }
0xa1: {  	[tilespmem:s22], [sflag:$0x4] =	stream.indirect_vreg.gather [hbm4b:s1+s3], $0x80, v4, vm0, $0xb8;
	[tilespmem:$0x18400] =	vst v63  }
0xa2: {  	v3 =	vadd.s32 v1, v3  }
0xa3: {  	[tilespmem:s23], [sflag:$0x4] =	stream.indirect_vreg.gather [hbm4b:s5+s3], $0x80, v4, vm0, $0xb8;
	[tilespmem:$0x18400] =	vst v63  }
0xa4: {  	_ = 	snop  }
0xa5: {  	[tilespmem:s24], [sflag:$0x4] =	stream.indirect_vreg.gather [hbm4b:s6+s3], $0x80, v4, vm0, $0xb8;
	[tilespmem:$0x18400] =	vst v63  }
0xa6: {  	_ = 	snop  }
0xa7: {  	[tilespmem:s25], [sflag:$0x4] =	stream.indirect_vreg.gather [hbm4b:s1+s3], $0x80, v3, vm0, $0xb8;
	[tilespmem:$0x18400] =	vst v63  }
0xa8: {  	_ = 	snop  }
0xa9: {  	[tilespmem:s26], [sflag:$0x4] =	stream.indirect_vreg.gather [hbm4b:s5+s3], $0x80, v3, vm0, $0xb8;
	[tilespmem:$0x18400] =	vst v63  }
0xaa: {  	_ = 	snop  }
0xab: {  	[tilespmem:s28], [sflag:$0x4] =	stream.indirect_vreg.gather [hbm4b:s6+s3], $0x80, v3, vm0, $0xb8;
	[tilespmem:$0x18400] =	vst v63  }
0xac: {  	v3 =	vld [tilespmem:$0x70];
	_ =	sdelay $0x4  }
0xad: {  	v63 =	vshrl.u32 v3, $0x3  }
0xae: {  	v4 =	vmul.u32 $0x30, v63  }
0xaf: {  	v3 =	vand.u32 $0x7, v3  }
0xb0: {  	v3 =	vor.u32 v3, v4  }
0xb1: {  	v4 =	vperm.xlane v3, v0;
	_ =	sdelay $0x1  }
0xb2: {  	v4 =	vadd.s32 v1, v4;
	_ =	sdelay $0x3  }
0xb3: {  	v3 =	vperm.xlane v3, v2  }
0xb4: {  	[tilespmem:s29], [sflag:$0x4] =	stream.indirect_vreg.gather [hbm4b:s1+s3], $0x80, v4, vm0, $0xb8;
	[tilespmem:$0x18400] =	vst v63  }
0xb5: {  	v3 =	vadd.s32 v1, v3  }
0xb6: {  	[tilespmem:s30], [sflag:$0x4] =	stream.indirect_vreg.gather [hbm4b:s5+s3], $0x80, v4, vm0, $0xb8;
	[tilespmem:$0x18400] =	vst v63  }
0xb7: {  	_ = 	snop  }
0xb8: {  	[tilespmem:s31], [sflag:$0x4] =	stream.indirect_vreg.gather [hbm4b:s6+s3], $0x80, v4, vm0, $0xb8;
	[tilespmem:$0x18400] =	vst v63  }
0xb9: {  	_ = 	snop  }
0xba: {  	[tilespmem:s0], [sflag:$0x4] =	stream.indirect_vreg.gather [hbm4b:s1+s3], $0x80, v3, vm0, $0xb8;
	[tilespmem:$0x18400] =	vst v63  }
0xbb: {  	_ = 	snop  }
0xbc: {  	[tilespmem:s2], [sflag:$0x4] =	stream.indirect_vreg.gather [hbm4b:s5+s3], $0x80, v3, vm0, $0xb8;
	[tilespmem:$0x18400] =	vst v63  }
0xbd: {  	_ = 	snop  }
0xbe: {  	[tilespmem:s7], [sflag:$0x4] =	stream.indirect_vreg.gather [hbm4b:s6+s3], $0x80, v3, vm0, $0xb8;
	[tilespmem:$0x18400] =	vst v63  }
0xbf: {  	s16 =	rddreg [dreg:$0x5];
	s18 =	simm.s32 $0x200;
	s17 =	simm.s32 $0x80  }
0xc0: {  	[tilespmem:s17], [sflag:$0x7] =	stream.strided.gather [hbm4b:s16+s17], $0x380, s18, s17, $0x38;
	[tilespmem:$0x18400] =	vst v63  }
0xc1: {  	s18 =	simm.s32 $0x7  }
0xc2: {  	_ =	swait.ge [sflag:s18], $0x380  }
0xc3: {  	[sflag:s18] =	ssyncset.done $0x0  }
0xc4: {  	s16 =	simm.s32 $0xF0;
	s17 =	simm.s32 $0x0;
	[sflag:s18] =	ssyncadd.s32 $0xFFFFFC80  }
.LBB2_2:
0xc5: {  	_ =	swait.ge [sflag:s8], $0x6000  }
0xc6: {  	p0 =	seq.s32 s17, $0x15000;
	[sflag:s8] =	ssyncset.done $0x0  }
.Ltmp2:
0xc7: {  	[sflag:s8] =	ssyncadd.s32 $0xFFFFA000;
	(pc) =	sbr.rel @p0 .LBB2_4-.Ltmp2, $4  }
0xc8: {  	_ =	swait.ge [sflag:s10], $0x6000  }
0xc9: {  	[sflag:s10] =	ssyncset.done $0x0  }
0xca: {  	s18 =	sadd.s32 s17, s9;
	[sflag:s10] =	ssyncadd.s32 $0xFFFFA000  }
0xcb: {  	[hbm4b:s18+s3] =	stream.linear.scatter [tilespmem:s11], [sflag:$0x5], $0xC000, $0x38;
	[tilespmem:$0x18400] =	vst v63  }
0xcc: {  	_ =	swait.ge [sflag:s14], $0xC000  }
0xcd: {  	[sflag:s14] =	ssyncset.done $0x0  }
0xce: {  	[sflag:s14] =	ssyncadd.s32 $0xFFFF4000  }
0xcf: {  	v3 =	vld [tilespmem:s16+$0xFFFFFF90];
	_ =	sdelay $0x4  }
0xd0: {  	v4 =	vshrl.u32 v3, $0x3  }
0xd1: {  	v4 =	vmul.u32 $0x30, v4  }
0xd2: {  	v3 =	vand.u32 $0x7, v3  }
0xd3: {  	v3 =	vor.u32 v3, v4  }
0xd4: {  	v4 =	vperm.xlane v3, v0;
	_ =	sdelay $0x1  }
0xd5: {  	v4 =	vadd.s32 v1, v4;
	_ =	sdelay $0x3  }
0xd6: {  	v3 =	vperm.xlane v3, v2  }
0xd7: {  	[tilespmem:s11], [sflag:$0x1] =	stream.indirect_vreg.gather [hbm4b:s1+s3], $0x80, v4, vm0, $0xb8;
	[tilespmem:$0x18400] =	vst v63  }
0xd8: {  	s19 =	simm.s32 $0xC00;
	v3 =	vadd.s32 v1, v3  }
0xd9: {  	[tilespmem:s19], [sflag:$0x1] =	stream.indirect_vreg.gather [hbm4b:s5+s3], $0x80, v4, vm0, $0xb8;
	[tilespmem:$0x18400] =	vst v63  }
0xda: {  	s19 =	simm.s32 $0x1400  }
0xdb: {  	[tilespmem:s19], [sflag:$0x1] =	stream.indirect_vreg.gather [hbm4b:s6+s3], $0x80, v4, vm0, $0xb8;
	[tilespmem:$0x18400] =	vst v63  }
0xdc: {  	s19 =	simm.s32 $0x1C00  }
0xdd: {  	[tilespmem:s19], [sflag:$0x1] =	stream.indirect_vreg.gather [hbm4b:s1+s3], $0x80, v3, vm0, $0xb8;
	[tilespmem:$0x18400] =	vst v63  }
0xde: {  	s19 =	simm.s32 $0x2400  }
0xdf: {  	[tilespmem:s19], [sflag:$0x1] =	stream.indirect_vreg.gather [hbm4b:s5+s3], $0x80, v3, vm0, $0xb8;
	[tilespmem:$0x18400] =	vst v63  }
0xe0: {  	s19 =	simm.s32 $0x2C00  }
0xe1: {  	[tilespmem:s19], [sflag:$0x1] =	stream.indirect_vreg.gather [hbm4b:s6+s3], $0x80, v3, vm0, $0xb8;
	[tilespmem:$0x18400] =	vst v63  }
0xe2: {  	v3 =	vld [tilespmem:s16+$0xFFFFFFA0];
	_ =	sdelay $0x4  }
0xe3: {  	v61 =	vshrl.u32 v3, $0x3  }
0xe4: {  	v4 =	vmul.u32 $0x30, v61  }
0xe5: {  	v3 =	vand.u32 $0x7, v3  }
0xe6: {  	v3 =	vor.u32 v3, v4  }
0xe7: {  	v4 =	vperm.xlane v3, v0;
	_ =	sdelay $0x1  }
0xe8: {  	v4 =	vadd.s32 v1, v4;
	_ =	sdelay $0x3  }
0xe9: {  	s19 =	simm.s32 $0x3400;
	v3 =	vperm.xlane v3, v2  }
0xea: {  	[tilespmem:s19], [sflag:$0x1] =	stream.indirect_vreg.gather [hbm4b:s1+s3], $0x80, v4, vm0, $0xb8;
	[tilespmem:$0x18400] =	vst v63  }
0xeb: {  	v3 =	vadd.s32 v1, v3;
	s19 =	simm.s32 $0x3C00  }
0xec: {  	[tilespmem:s19], [sflag:$0x1] =	stream.indirect_vreg.gather [hbm4b:s5+s3], $0x80, v4, vm0, $0xb8;
	[tilespmem:$0x18400] =	vst v63  }
0xed: {  	s19 =	simm.s32 $0x4400  }
0xee: {  	[tilespmem:s19], [sflag:$0x1] =	stream.indirect_vreg.gather [hbm4b:s6+s3], $0x80, v4, vm0, $0xb8;
	[tilespmem:$0x18400] =	vst v63  }
0xef: {  	s19 =	simm.s32 $0x4C00  }
0xf0: {  	[tilespmem:s19], [sflag:$0x1] =	stream.indirect_vreg.gather [hbm4b:s1+s3], $0x80, v3, vm0, $0xb8;
	[tilespmem:$0x18400] =	vst v63  }
0xf1: {  	s19 =	simm.s32 $0x5400  }
0xf2: {  	[tilespmem:s19], [sflag:$0x1] =	stream.indirect_vreg.gather [hbm4b:s5+s3], $0x80, v3, vm0, $0xb8;
	[tilespmem:$0x18400] =	vst v63  }
0xf3: {  	s19 =	simm.s32 $0x5C00  }
0xf4: {  	[tilespmem:s19], [sflag:$0x1] =	stream.indirect_vreg.gather [hbm4b:s6+s3], $0x80, v3, vm0, $0xb8;
	[tilespmem:$0x18400] =	vst v63  }
0xf5: {  	v3 =	vld [tilespmem:s16+$0xFFFFFFB0];
	_ =	sdelay $0x4  }
0xf6: {  	v62 =	vshrl.u32 v3, $0x3  }
0xf7: {  	v4 =	vmul.u32 $0x30, v62  }
0xf8: {  	v3 =	vand.u32 $0x7, v3  }
0xf9: {  	v3 =	vor.u32 v3, v4  }
0xfa: {  	v4 =	vperm.xlane v3, v0;
	_ =	sdelay $0x1  }
0xfb: {  	v4 =	vadd.s32 v1, v4;
	_ =	sdelay $0x3  }
0xfc: {  	s19 =	simm.s32 $0x6400;
	v3 =	vperm.xlane v3, v2  }
0xfd: {  	[tilespmem:s19], [sflag:$0x2] =	stream.indirect_vreg.gather [hbm4b:s1+s3], $0x80, v4, vm0, $0xb8;
	[tilespmem:$0x18400] =	vst v63  }
0xfe: {  	v3 =	vadd.s32 v1, v3;
	s19 =	simm.s32 $0x6C00  }
0xff: {  	[tilespmem:s19], [sflag:$0x2] =	stream.indirect_vreg.gather [hbm4b:s5+s3], $0x80, v4, vm0, $0xb8;
	[tilespmem:$0x18400] =	vst v63  }
0x100: {  	s19 =	simm.s32 $0x7400  }
0x101: {  	[tilespmem:s19], [sflag:$0x2] =	stream.indirect_vreg.gather [hbm4b:s6+s3], $0x80, v4, vm0, $0xb8;
	[tilespmem:$0x18400] =	vst v63  }
0x102: {  	s19 =	simm.s32 $0x7C00  }
0x103: {  	[tilespmem:s19], [sflag:$0x2] =	stream.indirect_vreg.gather [hbm4b:s1+s3], $0x80, v3, vm0, $0xb8;
	[tilespmem:$0x18400] =	vst v63  }
0x104: {  	s19 =	simm.s32 $0x8400  }
0x105: {  	[tilespmem:s19], [sflag:$0x2] =	stream.indirect_vreg.gather [hbm4b:s5+s3], $0x80, v3, vm0, $0xb8;
	[tilespmem:$0x18400] =	vst v63  }
0x106: {  	s19 =	simm.s32 $0x8C00  }
0x107: {  	[tilespmem:s19], [sflag:$0x2] =	stream.indirect_vreg.gather [hbm4b:s6+s3], $0x80, v3, vm0, $0xb8;
	[tilespmem:$0x18400] =	vst v63  }
0x108: {  	v3 =	vld [tilespmem:s16+$0xFFFFFFC0];
	_ =	sdelay $0x4  }
0x109: {  	v63 =	vshrl.u32 v3, $0x3  }
0x10a: {  	v4 =	vmul.u32 $0x30, v63  }
0x10b: {  	v3 =	vand.u32 $0x7, v3  }
0x10c: {  	v3 =	vor.u32 v3, v4  }
0x10d: {  	v4 =	vperm.xlane v3, v0;
	_ =	sdelay $0x1  }
0x10e: {  	v4 =	vadd.s32 v1, v4;
	_ =	sdelay $0x3  }
0x10f: {  	s19 =	simm.s32 $0x9400;
	v3 =	vperm.xlane v3, v2  }
0x110: {  	[tilespmem:s19], [sflag:$0x2] =	stream.indirect_vreg.gather [hbm4b:s1+s3], $0x80, v4, vm0, $0xb8;
	[tilespmem:$0x18400] =	vst v63  }
0x111: {  	v3 =	vadd.s32 v1, v3;
	s19 =	simm.s32 $0x9C00  }
0x112: {  	[tilespmem:s19], [sflag:$0x2] =	stream.indirect_vreg.gather [hbm4b:s5+s3], $0x80, v4, vm0, $0xb8;
	[tilespmem:$0x18400] =	vst v63  }
0x113: {  	s19 =	simm.s32 $0xA400  }
0x114: {  	[tilespmem:s19], [sflag:$0x2] =	stream.indirect_vreg.gather [hbm4b:s6+s3], $0x80, v4, vm0, $0xb8;
	[tilespmem:$0x18400] =	vst v63  }
0x115: {  	s19 =	simm.s32 $0xAC00  }
0x116: {  	[tilespmem:s19], [sflag:$0x2] =	stream.indirect_vreg.gather [hbm4b:s1+s3], $0x80, v3, vm0, $0xb8;
	[tilespmem:$0x18400] =	vst v63  }
0x117: {  	s19 =	simm.s32 $0xB400  }
0x118: {  	[tilespmem:s19], [sflag:$0x2] =	stream.indirect_vreg.gather [hbm4b:s5+s3], $0x80, v3, vm0, $0xb8;
	[tilespmem:$0x18400] =	vst v63  }
0x119: {  	s19 =	simm.s32 $0xBC00  }
0x11a: {  	[tilespmem:s19], [sflag:$0x2] =	stream.indirect_vreg.gather [hbm4b:s6+s3], $0x80, v3, vm0, $0xb8;
	[tilespmem:$0x18400] =	vst v63  }
0x11b: {  	s19 =	simm.s32 $0xCC00  }
.LBB2_4:
0x11c: {  	_ =	swait.ge [sflag:s12], $0x6000  }
0x11d: {  	[sflag:s12] =	ssyncset.done $0x0  }
.Ltmp3:
0x11e: {  	[sflag:s12] =	ssyncadd.s32 $0xFFFFA000;
	(pc) =	sbr.rel @p0 .LBB2_6-.Ltmp3, $4  }
0x11f: {  	_ =	swait.ge [sflag:s13], $0x6000  }
0x120: {  	[sflag:s13] =	ssyncset.done $0x0  }
0x121: {  	s18 =	sadd.s32 $0x1800, s18;
	[sflag:s13] =	ssyncadd.s32 $0xFFFFA000  }
0x122: {  	[hbm4b:s18+s3] =	stream.linear.scatter [tilespmem:s4], [sflag:$0x6], $0xC000, $0x38;
	[tilespmem:$0x18400] =	vst v63  }
0x123: {  	_ =	swait.ge [sflag:s15], $0xC000  }
0x124: {  	[sflag:s15] =	ssyncset.done $0x0  }
0x125: {  	[sflag:s15] =	ssyncadd.s32 $0xFFFF4000  }
0x126: {  	v3 =	vld [tilespmem:s16+$0xFFFFFFD0];
	_ =	sdelay $0x4  }
0x127: {  	v4 =	vshrl.u32 v3, $0x3  }
0x128: {  	v4 =	vmul.u32 $0x30, v4  }
0x129: {  	v3 =	vand.u32 $0x7, v3  }
0x12a: {  	v3 =	vor.u32 v3, v4  }
0x12b: {  	v4 =	vperm.xlane v3, v0;
	_ =	sdelay $0x1  }
0x12c: {  	v4 =	vadd.s32 v1, v4;
	_ =	sdelay $0x3  }
0x12d: {  	v3 =	vperm.xlane v3, v2  }
0x12e: {  	[tilespmem:s4], [sflag:$0x3] =	stream.indirect_vreg.gather [hbm4b:s1+s3], $0x80, v4, vm0, $0xb8;
	[tilespmem:$0x18400] =	vst v63  }
0x12f: {  	v3 =	vadd.s32 v1, v3  }
0x130: {  	[tilespmem:s19], [sflag:$0x3] =	stream.indirect_vreg.gather [hbm4b:s5+s3], $0x80, v4, vm0, $0xb8;
	[tilespmem:$0x18400] =	vst v63  }
0x131: {  	s18 =	simm.s32 $0xD400  }
0x132: {  	[tilespmem:s18], [sflag:$0x3] =	stream.indirect_vreg.gather [hbm4b:s6+s3], $0x80, v4, vm0, $0xb8;
	[tilespmem:$0x18400] =	vst v63  }
0x133: {  	s18 =	simm.s32 $0xDC00  }
0x134: {  	[tilespmem:s18], [sflag:$0x3] =	stream.indirect_vreg.gather [hbm4b:s1+s3], $0x80, v3, vm0, $0xb8;
	[tilespmem:$0x18400] =	vst v63  }
0x135: {  	s18 =	simm.s32 $0xE400  }
0x136: {  	[tilespmem:s18], [sflag:$0x3] =	stream.indirect_vreg.gather [hbm4b:s5+s3], $0x80, v3, vm0, $0xb8;
	[tilespmem:$0x18400] =	vst v63  }
0x137: {  	s18 =	simm.s32 $0xEC00  }
0x138: {  	[tilespmem:s18], [sflag:$0x3] =	stream.indirect_vreg.gather [hbm4b:s6+s3], $0x80, v3, vm0, $0xb8;
	[tilespmem:$0x18400] =	vst v63  }
0x139: {  	v3 =	vld [tilespmem:s16+$0xFFFFFFE0];
	_ =	sdelay $0x4  }
0x13a: {  	v61 =	vshrl.u32 v3, $0x3  }
0x13b: {  	v4 =	vmul.u32 $0x30, v61  }
0x13c: {  	v3 =	vand.u32 $0x7, v3  }
0x13d: {  	v3 =	vor.u32 v3, v4  }
0x13e: {  	v4 =	vperm.xlane v3, v0;
	_ =	sdelay $0x1  }
0x13f: {  	v4 =	vadd.s32 v1, v4;
	_ =	sdelay $0x3  }
0x140: {  	s18 =	simm.s32 $0xF400;
	v3 =	vperm.xlane v3, v2  }
0x141: {  	[tilespmem:s18], [sflag:$0x3] =	stream.indirect_vreg.gather [hbm4b:s1+s3], $0x80, v4, vm0, $0xb8;
	[tilespmem:$0x18400] =	vst v63  }
0x142: {  	v3 =	vadd.s32 v1, v3;
	s18 =	simm.s32 $0xFC00  }
0x143: {  	[tilespmem:s18], [sflag:$0x3] =	stream.indirect_vreg.gather [hbm4b:s5+s3], $0x80, v4, vm0, $0xb8;
	[tilespmem:$0x18400] =	vst v63  }
0x144: {  	s18 =	simm.s32 $0x10400  }
0x145: {  	[tilespmem:s18], [sflag:$0x3] =	stream.indirect_vreg.gather [hbm4b:s6+s3], $0x80, v4, vm0, $0xb8;
	[tilespmem:$0x18400] =	vst v63  }
0x146: {  	s18 =	simm.s32 $0x10C00  }
0x147: {  	[tilespmem:s18], [sflag:$0x3] =	stream.indirect_vreg.gather [hbm4b:s1+s3], $0x80, v3, vm0, $0xb8;
	[tilespmem:$0x18400] =	vst v63  }
0x148: {  	_ = 	snop  }
0x149: {  	[tilespmem:s20], [sflag:$0x3] =	stream.indirect_vreg.gather [hbm4b:s5+s3], $0x80, v3, vm0, $0xb8;
	[tilespmem:$0x18400] =	vst v63  }
0x14a: {  	_ = 	snop  }
0x14b: {  	[tilespmem:s21], [sflag:$0x3] =	stream.indirect_vreg.gather [hbm4b:s6+s3], $0x80, v3, vm0, $0xb8;
	[tilespmem:$0x18400] =	vst v63  }
0x14c: {  	v3 =	vld [tilespmem:s16+$0xFFFFFFF0];
	_ =	sdelay $0x4  }
0x14d: {  	v62 =	vshrl.u32 v3, $0x3  }
0x14e: {  	v4 =	vmul.u32 $0x30, v62  }
0x14f: {  	v3 =	vand.u32 $0x7, v3  }
0x150: {  	v3 =	vor.u32 v3, v4  }
0x151: {  	v4 =	vperm.xlane v3, v0;
	_ =	sdelay $0x1  }
0x152: {  	v4 =	vadd.s32 v1, v4;
	_ =	sdelay $0x3  }
0x153: {  	v3 =	vperm.xlane v3, v2  }
0x154: {  	[tilespmem:s22], [sflag:$0x4] =	stream.indirect_vreg.gather [hbm4b:s1+s3], $0x80, v4, vm0, $0xb8;
	[tilespmem:$0x18400] =	vst v63  }
0x155: {  	v3 =	vadd.s32 v1, v3  }
0x156: {  	[tilespmem:s23], [sflag:$0x4] =	stream.indirect_vreg.gather [hbm4b:s5+s3], $0x80, v4, vm0, $0xb8;
	[tilespmem:$0x18400] =	vst v63  }
0x157: {  	_ = 	snop  }
0x158: {  	[tilespmem:s24], [sflag:$0x4] =	stream.indirect_vreg.gather [hbm4b:s6+s3], $0x80, v4, vm0, $0xb8;
	[tilespmem:$0x18400] =	vst v63  }
0x159: {  	_ = 	snop  }
0x15a: {  	[tilespmem:s25], [sflag:$0x4] =	stream.indirect_vreg.gather [hbm4b:s1+s3], $0x80, v3, vm0, $0xb8;
	[tilespmem:$0x18400] =	vst v63  }
0x15b: {  	_ = 	snop  }
0x15c: {  	[tilespmem:s26], [sflag:$0x4] =	stream.indirect_vreg.gather [hbm4b:s5+s3], $0x80, v3, vm0, $0xb8;
	[tilespmem:$0x18400] =	vst v63  }
0x15d: {  	_ = 	snop  }
0x15e: {  	[tilespmem:s28], [sflag:$0x4] =	stream.indirect_vreg.gather [hbm4b:s6+s3], $0x80, v3, vm0, $0xb8;
	[tilespmem:$0x18400] =	vst v63  }
0x15f: {  	v3 =	vld [tilespmem:s16+$0x0];
	_ =	sdelay $0x4  }
0x160: {  	v63 =	vshrl.u32 v3, $0x3  }
0x161: {  	v4 =	vmul.u32 $0x30, v63  }
0x162: {  	v3 =	vand.u32 $0x7, v3  }
0x163: {  	v3 =	vor.u32 v3, v4  }
0x164: {  	v4 =	vperm.xlane v3, v0;
	_ =	sdelay $0x1  }
0x165: {  	v4 =	vadd.s32 v1, v4;
	_ =	sdelay $0x3  }
0x166: {  	v3 =	vperm.xlane v3, v2  }
0x167: {  	[tilespmem:s29], [sflag:$0x4] =	stream.indirect_vreg.gather [hbm4b:s1+s3], $0x80, v4, vm0, $0xb8;
	[tilespmem:$0x18400] =	vst v63  }
0x168: {  	v3 =	vadd.s32 v1, v3  }
0x169: {  	[tilespmem:s30], [sflag:$0x4] =	stream.indirect_vreg.gather [hbm4b:s5+s3], $0x80, v4, vm0, $0xb8;
	[tilespmem:$0x18400] =	vst v63  }
0x16a: {  	_ = 	snop  }
0x16b: {  	[tilespmem:s31], [sflag:$0x4] =	stream.indirect_vreg.gather [hbm4b:s6+s3], $0x80, v4, vm0, $0xb8;
	[tilespmem:$0x18400] =	vst v63  }
0x16c: {  	_ = 	snop  }
0x16d: {  	[tilespmem:s0], [sflag:$0x4] =	stream.indirect_vreg.gather [hbm4b:s1+s3], $0x80, v3, vm0, $0xb8;
	[tilespmem:$0x18400] =	vst v63  }
.Ltmp4:
0x16e: {  	_ = 	snop;
	(pc) =	sbr.rel .LBB2_2-.Ltmp4, $4  }
0x16f: {  	_ = 	snop  }
0x170: {  	[tilespmem:s2], [sflag:$0x4] =	stream.indirect_vreg.gather [hbm4b:s5+s3], $0x80, v3, vm0, $0xb8;
	[tilespmem:$0x18400] =	vst v63  }
0x171: {  	s17 =	sadd.s32 $0x3000, s17;
	s16 =	sadd.s32 $0x80, s16  }
0x172: {  	[tilespmem:s7], [sflag:$0x4] =	stream.indirect_vreg.gather [hbm4b:s6+s3], $0x80, v3, vm0, $0xb8;
	[tilespmem:$0x18400] =	vst v63  }
.LBB2_7:
0x173: {  	_ =	sfence.sel $0x180000  }
0x174: {  	[bflag:$0x0] =	sbarrier.arrive $0xFFFF  }
0x175: {  	_ =	strace $0x90000047  }
0x176: {  	s0 =	stileid.u32;
	[bflag:$0x2] =	sbarrier.arrive $0xFFFF  }
0x177: {  	p0 =	sne.s32 s0, $0x0;
	s0 =	rddreg [dreg:$0x3]  }
0x178: {  	s0 =	sadd.s32 @!p0 $0x100000, s0  }
0x179: {  	[sflag:s0] =	ssyncadd.tile.s32 @!p0 $0x1;
	_ =	shalt  }
.Lfunc_end2:
_tile_overlayer_lowered:
.L_overlay_start_2:
0x17a: {  	(tag) =	ssettag $0x2  }
0x17b: {  	s0 =	rddreg [dreg:$0x0];
	s2 =	stileid.u32  }
0x17c: {  	s1 =	rddreg [dreg:$0x1];
	p0 =	sne.s32 s2, $0x0  }
0x17d: {  	s3 =	rddreg [dreg:$0x2];
	[bflag:$0x3] =	sbarrier.arrive $0xFFFF;
	s2 =	simm.s32 @!p0 $0x1C07  }
0x17e: {  	[timem:s3], [sflag:s2] =	dma.local @!p0 [hbm:s0], s1  }
0x17f: {  	s0 =	simm.s32 @!p0 $0x7  }
0x180: {  	_ =	swait.ge @!p0 [sflag:s0], s1  }
0x181: {  	s1 =	ssub.s32 @!p0 $0x0, s1;
	[sflag:s0] =	ssyncset.done @!p0 $0x0  }
0x182: {  	[sflag:s0] =	ssyncadd.s32 @!p0 s1  }
0x183: {  	[bflag:$0x3] =	sbarrier.arrive $0xFFFF  }
0x184: {  	_ =	shalt  }

</sc_bundles>
